<compile_context>
chip_gen: v7x
topology: tpu7x:2x2x1
jax: 0.10.2.dev20260603
libtpu: 0.0.44.dev20260713+nightly
codegen_flags: <defaults>
</compile_context>

<pallas_src>
import functools

import jax
import jax.numpy as jnp
from jax import lax
from jax.experimental import pallas as pl
from jax.experimental.pallas import tpu as pltpu
from jax.experimental.pallas import tpu_sc as plsc

NUM_EMB = 1_000_000
D = 32
B = 4096 * 200
NC = 2
NS = 16
NW = NC * NS
GSZ = 256
K = 5
NBUF = 2 * K
PER_W = B // NW
NGRP = PER_W // GSZ
OUTER = NGRP // NBUF

_mesh = plsc.VectorSubcoreMesh(core_axis_name="c", subcore_axis_name="s")


@functools.partial(
    pl.kernel,
    mesh=_mesh,
    out_type=jax.ShapeDtypeStruct((NW, NGRP, GSZ, D), jnp.float32),
    scratch_types=(
        [pltpu.VMEM((NGRP, GSZ), jnp.int32)]
        + [pltpu.VMEM((GSZ, D), jnp.float32) for _ in range(NBUF)]
        + [pltpu.SemaphoreType.DMA for _ in range(2 * NBUF)]
    ),
    compiler_params=pltpu.CompilerParams(use_tc_tiling_on_sc=False),
)
def _emb_lookup(table_hbm, idx_hbm, out_hbm, idx_v, *bufs_sems):
    bufs = bufs_sems[:NBUF]
    gsem = bufs_sems[NBUF:2 * NBUF]
    wsem = bufs_sems[2 * NBUF:]
    wid = lax.axis_index("s") * NC + lax.axis_index("c")
    pltpu.sync_copy(idx_hbm.at[wid, pl.ds(0, K)], idx_v.at[pl.ds(0, K)])

    for b in range(K):
        pltpu.async_copy(table_hbm.at[idx_v.at[b]], bufs[b], gsem[b])

    pltpu.sync_copy(
        idx_hbm.at[wid, pl.ds(K, NGRP - K)], idx_v.at[pl.ds(K, NGRP - K)]
    )

    def body(o, carry):
        for b in range(NBUF):
            g = o * NBUF + b
            pltpu.make_async_copy(table_hbm.at[idx_v.at[g]], bufs[b], gsem[b]).wait()
            pltpu.async_copy(bufs[b], out_hbm.at[wid, g], wsem[b])
            bb = (b + K) % NBUF

            def refill():
                pltpu.make_async_copy(
                    bufs[bb], out_hbm.at[wid, g - K], wsem[bb]
                ).wait()
                pltpu.async_copy(table_hbm.at[idx_v.at[g + K]], bufs[bb], gsem[bb])

            if b >= K:
                pl.when(g + K < NGRP)(refill)
            else:
                def first_fill():
                    pltpu.async_copy(
                        table_hbm.at[idx_v.at[g + K]], bufs[bb], gsem[bb]
                    )

                pl.when(o > 0)(refill)
                pl.when(o == 0)(first_fill)
        return carry

    lax.fori_loop(0, OUTER, body, 0)

    for b in range(K, NBUF):
        g = NGRP - NBUF + b
        pltpu.make_async_copy(bufs[b], out_hbm.at[wid, g], wsem[b]).wait()


def kernel(x, table):
    idx = x.astype(jnp.int32).reshape(NW, NGRP, GSZ)
    out = _emb_lookup(table, idx)
    return out.reshape(4096, 200, D)

# --- scband reference (transcript-rebuilt; emitter-appended) ---
"""Pipeline reference for scband-learnable-embedding-13219909337697 (READ-ONLY COPY).

The authoritative reference and input builder live on the scoring server;
editing this copy changes nothing except your own understanding.
"""

import jax, jax.numpy as jnp
import numpy as np

NUM_EMBEDDINGS = 1000000  # h*w = 1000*1000 from config
OUT_FEATURES = 32

def setup_inputs(seed: int = 0) -> dict:
    key = jax.random.key(seed)
    k1, k2 = jax.random.split(key)
    x = jax.random.randint(k1, (4096, 200), 0, NUM_EMBEDDINGS, dtype=jnp.int64)
    table = jax.random.normal(k2, (NUM_EMBEDDINGS, OUT_FEATURES), dtype=jnp.float32)
    return {"x": x, "table": table}

def reference(x, table):
    # nn.Embedding forward: gather rows of the table
    return jnp.take(table, x, axis=0)

if __name__ == "__main__":
    import jax
    _d = setup_inputs()
    print(jax.jit(kernel)(*tuple(_d.values())))

</pallas_src>

<mosaic_0001>
#map = affine_map<(d0, d1) -> (0, 0)>
#map1 = affine_map<(d0, d1) -> (0, 0, 0)>
#map2 = affine_map<(d0, d1) -> (0, 0, 0, 0)>
module attributes {stable_mosaic.version = 14 : i64} {
  func.func @_emb_lookup(%arg0: i32, %arg1: i32, %arg2: memref<1000000x32xf32, #tpu.memory_space<hbm>>, %arg3: memref<32x100x256xi32, #tpu.memory_space<hbm>>, %arg4: memref<32x100x256x32xf32, #tpu.memory_space<hbm>>, %arg5: memref<100x256xi32, #tpu.memory_space<vmem>>, %arg6: memref<256x32xf32, #tpu.memory_space<vmem>>, %arg7: memref<256x32xf32, #tpu.memory_space<vmem>>, %arg8: memref<256x32xf32, #tpu.memory_space<vmem>>, %arg9: memref<256x32xf32, #tpu.memory_space<vmem>>, %arg10: memref<256x32xf32, #tpu.memory_space<vmem>>, %arg11: memref<256x32xf32, #tpu.memory_space<vmem>>, %arg12: memref<256x32xf32, #tpu.memory_space<vmem>>, %arg13: memref<256x32xf32, #tpu.memory_space<vmem>>, %arg14: memref<256x32xf32, #tpu.memory_space<vmem>>, %arg15: memref<256x32xf32, #tpu.memory_space<vmem>>, %arg16: memref<!tpu.dma_semaphore, #tpu.memory_space<semaphore_mem>>, %arg17: memref<!tpu.dma_semaphore, #tpu.memory_space<semaphore_mem>>, %arg18: memref<!tpu.dma_semaphore, #tpu.memory_space<semaphore_mem>>, %arg19: memref<!tpu.dma_semaphore, #tpu.memory_space<semaphore_mem>>, %arg20: memref<!tpu.dma_semaphore, #tpu.memory_space<semaphore_mem>>, %arg21: memref<!tpu.dma_semaphore, #tpu.memory_space<semaphore_mem>>, %arg22: memref<!tpu.dma_semaphore, #tpu.memory_space<semaphore_mem>>, %arg23: memref<!tpu.dma_semaphore, #tpu.memory_space<semaphore_mem>>, %arg24: memref<!tpu.dma_semaphore, #tpu.memory_space<semaphore_mem>>, %arg25: memref<!tpu.dma_semaphore, #tpu.memory_space<semaphore_mem>>, %arg26: memref<!tpu.dma_semaphore, #tpu.memory_space<semaphore_mem>>, %arg27: memref<!tpu.dma_semaphore, #tpu.memory_space<semaphore_mem>>, %arg28: memref<!tpu.dma_semaphore, #tpu.memory_space<semaphore_mem>>, %arg29: memref<!tpu.dma_semaphore, #tpu.memory_space<semaphore_mem>>, %arg30: memref<!tpu.dma_semaphore, #tpu.memory_space<semaphore_mem>>, %arg31: memref<!tpu.dma_semaphore, #tpu.memory_space<semaphore_mem>>, %arg32: memref<!tpu.dma_semaphore, #tpu.memory_space<semaphore_mem>>, %arg33: memref<!tpu.dma_semaphore, #tpu.memory_space<semaphore_mem>>, %arg34: memref<!tpu.dma_semaphore, #tpu.memory_space<semaphore_mem>>, %arg35: memref<!tpu.dma_semaphore, #tpu.memory_space<semaphore_mem>>) attributes {dimension_semantics = [#tpu.dimension_semantics<core_parallel>, #tpu.dimension_semantics<subcore_parallel>], iteration_bounds = array<i64: 2, 16>, scalar_prefetch = 0 : i64, scratch_operands = 31 : i64, tpu.core_type = #tpu.core_type<sc_vector_subcore>, window_params = [{transform_indices = #map}, {transform_indices = #map1}, {transform_indices = #map2}]} {
    %mul3A = arith.constant 2 : i32
    %mul3A_0 = arith.muli %arg1, %mul3A : i32
    %add3A = arith.addi %mul3A_0, %arg0 : i32
    "tpu.region"() ({
      %run_scoped3A = tpu.sem_alloc : memref<!tpu.dma_semaphore, #tpu.memory_space<semaphore_mem>>
      %dma_start3A_84 = arith.constant 0 : i32
      %dma_start3A_85 = arith.constant 0 : i32
      %dma_start3A_86 = tpu.memref_slice %arg5[%dma_start3A_84, %dma_start3A_85] : memref<100x256xi32, #tpu.memory_space<vmem>> -> memref<5x256xi32, #tpu.memory_space<vmem>>
      %dma_start3A_87 = arith.constant 0 : i32
      %dma_start3A_88 = arith.constant 0 : i32
      %dma_start3A_89 = tpu.memref_slice %arg3[%add3A, %dma_start3A_87, %dma_start3A_88] : memref<32x100x256xi32, #tpu.memory_space<hbm>> -> memref<1x5x256xi32, #tpu.memory_space<hbm>>
      %dma_start3A_90 = tpu.memref_squeeze %dma_start3A_89 : memref<1x5x256xi32, #tpu.memory_space<hbm>> -> memref<5x256xi32, #tpu.memory_space<hbm>>
      %dma_start3A_91 = arith.constant 0 : i32
      %dma_start3A_92 = arith.constant 0 : i32
      %dma_start3A_93 = tpu.memref_slice %arg5[%dma_start3A_91, %dma_start3A_92] : memref<100x256xi32, #tpu.memory_space<vmem>> -> memref<5x256xi32, #tpu.memory_space<vmem>>
      %dma_start3A_94 = arith.constant 0 : i32
      %dma_start3A_95 = arith.constant 0 : i32
      %dma_start3A_96 = tpu.memref_slice %arg3[%add3A, %dma_start3A_94, %dma_start3A_95] : memref<32x100x256xi32, #tpu.memory_space<hbm>> -> memref<1x5x256xi32, #tpu.memory_space<hbm>>
      %dma_start3A_97 = tpu.memref_squeeze %dma_start3A_96 : memref<1x5x256xi32, #tpu.memory_space<hbm>> -> memref<5x256xi32, #tpu.memory_space<hbm>>
      tpu.enqueue_dma source(%dma_start3A_97 : memref<5x256xi32, #tpu.memory_space<hbm>>) target(%dma_start3A_93 : memref<5x256xi32, #tpu.memory_space<vmem>>) target_semaphore(%run_scoped3A : memref<!tpu.dma_semaphore, #tpu.memory_space<semaphore_mem>>)
      %dma_wait3A_98 = arith.constant 0 : i32
      %dma_wait3A_99 = arith.constant 0 : i32
      %dma_wait3A_100 = tpu.memref_slice %arg5[%dma_wait3A_98, %dma_wait3A_99] : memref<100x256xi32, #tpu.memory_space<vmem>> -> memref<5x256xi32, #tpu.memory_space<vmem>>
      %dma_wait3A_101 = arith.constant 0 : i32
      %dma_wait3A_102 = arith.constant 0 : i32
      %dma_wait3A_103 = tpu.memref_slice %arg3[%add3A, %dma_wait3A_101, %dma_wait3A_102] : memref<32x100x256xi32, #tpu.memory_space<hbm>> -> memref<1x5x256xi32, #tpu.memory_space<hbm>>
      %dma_wait3A_104 = tpu.memref_squeeze %dma_wait3A_103 : memref<1x5x256xi32, #tpu.memory_space<hbm>> -> memref<5x256xi32, #tpu.memory_space<hbm>>
      %dma_wait3A_105 = arith.constant 0 : i32
      %dma_wait3A_106 = arith.constant 0 : i32
      %dma_wait3A_107 = tpu.memref_slice %arg5[%dma_wait3A_105, %dma_wait3A_106] : memref<100x256xi32, #tpu.memory_space<vmem>> -> memref<5x256xi32, #tpu.memory_space<vmem>>
      %dma_wait3A_108 = arith.constant 0 : i32
      %dma_wait3A_109 = arith.constant 0 : i32
      %dma_wait3A_110 = tpu.memref_slice %arg3[%add3A, %dma_wait3A_108, %dma_wait3A_109] : memref<32x100x256xi32, #tpu.memory_space<hbm>> -> memref<1x5x256xi32, #tpu.memory_space<hbm>>
      %dma_wait3A_111 = tpu.memref_squeeze %dma_wait3A_110 : memref<1x5x256xi32, #tpu.memory_space<hbm>> -> memref<5x256xi32, #tpu.memory_space<hbm>>
      tpu.wait_dma2 semaphore(%run_scoped3A : memref<!tpu.dma_semaphore, #tpu.memory_space<semaphore_mem>>) src(%dma_wait3A_111 : memref<5x256xi32, #tpu.memory_space<hbm>>) dst(%dma_wait3A_107 : memref<5x256xi32, #tpu.memory_space<vmem>>)
      tpu.yield
    }) : () -> ()
    %dma_start3A = arith.constant 0 : i32
    %dma_start3A_1 = arith.constant 0 : i32
    %dma_start3A_2 = tpu.memref_slice %arg5[%dma_start3A, %dma_start3A_1] : memref<100x256xi32, #tpu.memory_space<vmem>> -> memref<1x256xi32, #tpu.memory_space<vmem>>
    %dma_start3A_3 = tpu.memref_squeeze %dma_start3A_2 : memref<1x256xi32, #tpu.memory_space<vmem>> -> memref<256xi32, #tpu.memory_space<vmem>>
    %dma_start3A_4 = arith.constant 0 : i32
    %dma_start3A_5 = arith.constant 0 : i32
    %dma_start3A_6 = tpu.memref_slice %arg2[%dma_start3A_4, %dma_start3A_5] : memref<1000000x32xf32, #tpu.memory_space<hbm>> -> memref<1000000x32xf32, #tpu.memory_space<hbm>>
    tpu.enqueue_indirect_dma source(%dma_start3A_6 : memref<1000000x32xf32, #tpu.memory_space<hbm>>) target(%arg6 : memref<256x32xf32, #tpu.memory_space<vmem>>) offsets(%dma_start3A_3 : memref<256xi32, #tpu.memory_space<vmem>>) semaphore(%arg16 : memref<!tpu.dma_semaphore, #tpu.memory_space<semaphore_mem>>)
    %dma_start3A_7 = arith.constant 1 : i32
    %dma_start3A_8 = arith.constant 0 : i32
    %dma_start3A_9 = tpu.memref_slice %arg5[%dma_start3A_7, %dma_start3A_8] : memref<100x256xi32, #tpu.memory_space<vmem>> -> memref<1x256xi32, #tpu.memory_space<vmem>>
    %dma_start3A_10 = tpu.memref_squeeze %dma_start3A_9 : memref<1x256xi32, #tpu.memory_space<vmem>> -> memref<256xi32, #tpu.memory_space<vmem>>
    %dma_start3A_11 = arith.constant 0 : i32
    %dma_start3A_12 = arith.constant 0 : i32
    %dma_start3A_13 = tpu.memref_slice %arg2[%dma_start3A_11, %dma_start3A_12] : memref<1000000x32xf32, #tpu.memory_space<hbm>> -> memref<1000000x32xf32, #tpu.memory_space<hbm>>
    tpu.enqueue_indirect_dma source(%dma_start3A_13 : memref<1000000x32xf32, #tpu.memory_space<hbm>>) target(%arg7 : memref<256x32xf32, #tpu.memory_space<vmem>>) offsets(%dma_start3A_10 : memref<256xi32, #tpu.memory_space<vmem>>) semaphore(%arg17 : memref<!tpu.dma_semaphore, #tpu.memory_space<semaphore_mem>>)
    %dma_start3A_14 = arith.constant 2 : i32
    %dma_start3A_15 = arith.constant 0 : i32
    %dma_start3A_16 = tpu.memref_slice %arg5[%dma_start3A_14, %dma_start3A_15] : memref<100x256xi32, #tpu.memory_space<vmem>> -> memref<1x256xi32, #tpu.memory_space<vmem>>
    %dma_start3A_17 = tpu.memref_squeeze %dma_start3A_16 : memref<1x256xi32, #tpu.memory_space<vmem>> -> memref<256xi32, #tpu.memory_space<vmem>>
    %dma_start3A_18 = arith.constant 0 : i32
    %dma_start3A_19 = arith.constant 0 : i32
    %dma_start3A_20 = tpu.memref_slice %arg2[%dma_start3A_18, %dma_start3A_19] : memref<1000000x32xf32, #tpu.memory_space<hbm>> -> memref<1000000x32xf32, #tpu.memory_space<hbm>>
    tpu.enqueue_indirect_dma source(%dma_start3A_20 : memref<1000000x32xf32, #tpu.memory_space<hbm>>) target(%arg8 : memref<256x32xf32, #tpu.memory_space<vmem>>) offsets(%dma_start3A_17 : memref<256xi32, #tpu.memory_space<vmem>>) semaphore(%arg18 : memref<!tpu.dma_semaphore, #tpu.memory_space<semaphore_mem>>)
    %dma_start3A_21 = arith.constant 3 : i32
    %dma_start3A_22 = arith.constant 0 : i32
    %dma_start3A_23 = tpu.memref_slice %arg5[%dma_start3A_21, %dma_start3A_22] : memref<100x256xi32, #tpu.memory_space<vmem>> -> memref<1x256xi32, #tpu.memory_space<vmem>>
    %dma_start3A_24 = tpu.memref_squeeze %dma_start3A_23 : memref<1x256xi32, #tpu.memory_space<vmem>> -> memref<256xi32, #tpu.memory_space<vmem>>
    %dma_start3A_25 = arith.constant 0 : i32
    %dma_start3A_26 = arith.constant 0 : i32
    %dma_start3A_27 = tpu.memref_slice %arg2[%dma_start3A_25, %dma_start3A_26] : memref<1000000x32xf32, #tpu.memory_space<hbm>> -> memref<1000000x32xf32, #tpu.memory_space<hbm>>
    tpu.enqueue_indirect_dma source(%dma_start3A_27 : memref<1000000x32xf32, #tpu.memory_space<hbm>>) target(%arg9 : memref<256x32xf32, #tpu.memory_space<vmem>>) offsets(%dma_start3A_24 : memref<256xi32, #tpu.memory_space<vmem>>) semaphore(%arg19 : memref<!tpu.dma_semaphore, #tpu.memory_space<semaphore_mem>>)
    %dma_start3A_28 = arith.constant 4 : i32
    %dma_start3A_29 = arith.constant 0 : i32
    %dma_start3A_30 = tpu.memref_slice %arg5[%dma_start3A_28, %dma_start3A_29] : memref<100x256xi32, #tpu.memory_space<vmem>> -> memref<1x256xi32, #tpu.memory_space<vmem>>
    %dma_start3A_31 = tpu.memref_squeeze %dma_start3A_30 : memref<1x256xi32, #tpu.memory_space<vmem>> -> memref<256xi32, #tpu.memory_space<vmem>>
    %dma_start3A_32 = arith.constant 0 : i32
    %dma_start3A_33 = arith.constant 0 : i32
    %dma_start3A_34 = tpu.memref_slice %arg2[%dma_start3A_32, %dma_start3A_33] : memref<1000000x32xf32, #tpu.memory_space<hbm>> -> memref<1000000x32xf32, #tpu.memory_space<hbm>>
    tpu.enqueue_indirect_dma source(%dma_start3A_34 : memref<1000000x32xf32, #tpu.memory_space<hbm>>) target(%arg10 : memref<256x32xf32, #tpu.memory_space<vmem>>) offsets(%dma_start3A_31 : memref<256xi32, #tpu.memory_space<vmem>>) semaphore(%arg20 : memref<!tpu.dma_semaphore, #tpu.memory_space<semaphore_mem>>)
    "tpu.region"() ({
      %run_scoped3A = tpu.sem_alloc : memref<!tpu.dma_semaphore, #tpu.memory_space<semaphore_mem>>
      %dma_start3A_84 = arith.constant 5 : i32
      %dma_start3A_85 = arith.constant 0 : i32
      %dma_start3A_86 = tpu.memref_slice %arg5[%dma_start3A_84, %dma_start3A_85] : memref<100x256xi32, #tpu.memory_space<vmem>> -> memref<95x256xi32, #tpu.memory_space<vmem>>
      %dma_start3A_87 = arith.constant 5 : i32
      %dma_start3A_88 = arith.constant 0 : i32
      %dma_start3A_89 = tpu.memref_slice %arg3[%add3A, %dma_start3A_87, %dma_start3A_88] : memref<32x100x256xi32, #tpu.memory_space<hbm>> -> memref<1x95x256xi32, #tpu.memory_space<hbm>>
      %dma_start3A_90 = tpu.memref_squeeze %dma_start3A_89 : memref<1x95x256xi32, #tpu.memory_space<hbm>> -> memref<95x256xi32, #tpu.memory_space<hbm>>
      %dma_start3A_91 = arith.constant 5 : i32
      %dma_start3A_92 = arith.constant 0 : i32
      %dma_start3A_93 = tpu.memref_slice %arg5[%dma_start3A_91, %dma_start3A_92] : memref<100x256xi32, #tpu.memory_space<vmem>> -> memref<95x256xi32, #tpu.memory_space<vmem>>
      %dma_start3A_94 = arith.constant 5 : i32
      %dma_start3A_95 = arith.constant 0 : i32
      %dma_start3A_96 = tpu.memref_slice %arg3[%add3A, %dma_start3A_94, %dma_start3A_95] : memref<32x100x256xi32, #tpu.memory_space<hbm>> -> memref<1x95x256xi32, #tpu.memory_space<hbm>>
      %dma_start3A_97 = tpu.memref_squeeze %dma_start3A_96 : memref<1x95x256xi32, #tpu.memory_space<hbm>> -> memref<95x256xi32, #tpu.memory_space<hbm>>
      tpu.enqueue_dma source(%dma_start3A_97 : memref<95x256xi32, #tpu.memory_space<hbm>>) target(%dma_start3A_93 : memref<95x256xi32, #tpu.memory_space<vmem>>) target_semaphore(%run_scoped3A : memref<!tpu.dma_semaphore, #tpu.memory_space<semaphore_mem>>)
      %dma_wait3A_98 = arith.constant 5 : i32
      %dma_wait3A_99 = arith.constant 0 : i32
      %dma_wait3A_100 = tpu.memref_slice %arg5[%dma_wait3A_98, %dma_wait3A_99] : memref<100x256xi32, #tpu.memory_space<vmem>> -> memref<95x256xi32, #tpu.memory_space<vmem>>
      %dma_wait3A_101 = arith.constant 5 : i32
      %dma_wait3A_102 = arith.constant 0 : i32
      %dma_wait3A_103 = tpu.memref_slice %arg3[%add3A, %dma_wait3A_101, %dma_wait3A_102] : memref<32x100x256xi32, #tpu.memory_space<hbm>> -> memref<1x95x256xi32, #tpu.memory_space<hbm>>
      %dma_wait3A_104 = tpu.memref_squeeze %dma_wait3A_103 : memref<1x95x256xi32, #tpu.memory_space<hbm>> -> memref<95x256xi32, #tpu.memory_space<hbm>>
      %dma_wait3A_105 = arith.constant 5 : i32
      %dma_wait3A_106 = arith.constant 0 : i32
      %dma_wait3A_107 = tpu.memref_slice %arg5[%dma_wait3A_105, %dma_wait3A_106] : memref<100x256xi32, #tpu.memory_space<vmem>> -> memref<95x256xi32, #tpu.memory_space<vmem>>
      %dma_wait3A_108 = arith.constant 5 : i32
      %dma_wait3A_109 = arith.constant 0 : i32
      %dma_wait3A_110 = tpu.memref_slice %arg3[%add3A, %dma_wait3A_108, %dma_wait3A_109] : memref<32x100x256xi32, #tpu.memory_space<hbm>> -> memref<1x95x256xi32, #tpu.memory_space<hbm>>
      %dma_wait3A_111 = tpu.memref_squeeze %dma_wait3A_110 : memref<1x95x256xi32, #tpu.memory_space<hbm>> -> memref<95x256xi32, #tpu.memory_space<hbm>>
      tpu.wait_dma2 semaphore(%run_scoped3A : memref<!tpu.dma_semaphore, #tpu.memory_space<semaphore_mem>>) src(%dma_wait3A_111 : memref<95x256xi32, #tpu.memory_space<hbm>>) dst(%dma_wait3A_107 : memref<95x256xi32, #tpu.memory_space<vmem>>)
      tpu.yield
    }) : () -> ()
    %scan3A = arith.constant 0 : i32
    %scan3A_35 = arith.constant 0 : i32
    %scan3A_36 = arith.constant 10 : i32
    %scan3A_37 = arith.addi %scan3A_35, %scan3A_36 : i32
    %scan3A_38 = arith.constant 1 : i32
    scf.for %scan3A_84 = %scan3A_35 to %scan3A_37 step %scan3A_38  : i32 {
      %mul3A_85 = arith.constant 10 : i32
      %mul3A_86 = arith.muli %scan3A_84, %mul3A_85 : i32
      %add3A_87 = arith.constant 0 : i32
      %add3A_88 = arith.addi %mul3A_86, %add3A_87 : i32
      %dma_wait3A_89 = arith.constant 0 : i32
      %dma_wait3A_90 = tpu.memref_slice %arg5[%add3A_88, %dma_wait3A_89] : memref<100x256xi32, #tpu.memory_space<vmem>> -> memref<1x256xi32, #tpu.memory_space<vmem>>
      %dma_wait3A_91 = tpu.memref_squeeze %dma_wait3A_90 : memref<1x256xi32, #tpu.memory_space<vmem>> -> memref<256xi32, #tpu.memory_space<vmem>>
      %dma_wait3A_92 = arith.constant 0 : i32
      %dma_wait3A_93 = arith.constant 0 : i32
      %dma_wait3A_94 = tpu.memref_slice %arg2[%dma_wait3A_92, %dma_wait3A_93] : memref<1000000x32xf32, #tpu.memory_space<hbm>> -> memref<1000000x32xf32, #tpu.memory_space<hbm>>
      tpu.wait_indirect_dma semaphore(%arg16 : memref<!tpu.dma_semaphore, #tpu.memory_space<semaphore_mem>>) src(%dma_wait3A_94 : memref<1000000x32xf32, #tpu.memory_space<hbm>>) dst(%arg6 : memref<256x32xf32, #tpu.memory_space<vmem>>)
      %dma_start3A_95 = arith.constant 0 : i32
      %dma_start3A_96 = arith.constant 0 : i32
      %dma_start3A_97 = tpu.memref_slice %arg4[%add3A, %add3A_88, %dma_start3A_95, %dma_start3A_96] : memref<32x100x256x32xf32, #tpu.memory_space<hbm>> -> memref<1x1x256x32xf32, #tpu.memory_space<hbm>>
      %dma_start3A_98 = tpu.memref_squeeze %dma_start3A_97 : memref<1x1x256x32xf32, #tpu.memory_space<hbm>> -> memref<256x32xf32, #tpu.memory_space<hbm>>
      %dma_start3A_99 = arith.constant 0 : i32
      %dma_start3A_100 = arith.constant 0 : i32
      %dma_start3A_101 = tpu.memref_slice %arg4[%add3A, %add3A_88, %dma_start3A_99, %dma_start3A_100] : memref<32x100x256x32xf32, #tpu.memory_space<hbm>> -> memref<1x1x256x32xf32, #tpu.memory_space<hbm>>
      %dma_start3A_102 = tpu.memref_squeeze %dma_start3A_101 : memref<1x1x256x32xf32, #tpu.memory_space<hbm>> -> memref<256x32xf32, #tpu.memory_space<hbm>>
      tpu.enqueue_dma source(%arg6 : memref<256x32xf32, #tpu.memory_space<vmem>>) target(%dma_start3A_102 : memref<256x32xf32, #tpu.memory_space<hbm>>) target_semaphore(%arg26 : memref<!tpu.dma_semaphore, #tpu.memory_space<semaphore_mem>>)
      %gt3A = arith.constant 0 : i32
      %gt3A_103 = arith.cmpi sgt, %scan3A_84, %gt3A : i32
      %convert_element_type3A = arith.extui %gt3A_103 : i1 to i32
      %cond3A = arith.constant 0 : i32
      %cond3A_104 = arith.cmpi ne, %convert_element_type3A, %cond3A : i32
      scf.if %cond3A_104 {
        %sub3A = arith.constant 5 : i32
        %sub3A_345 = arith.subi %add3A_88, %sub3A : i32
        %dma_wait3A_346 = arith.constant 0 : i32
        %dma_wait3A_347 = arith.constant 0 : i32
        %dma_wait3A_348 = tpu.memref_slice %arg4[%add3A, %sub3A_345, %dma_wait3A_346, %dma_wait3A_347] : memref<32x100x256x32xf32, #tpu.memory_space<hbm>> -> memref<1x1x256x32xf32, #tpu.memory_space<hbm>>
        %dma_wait3A_349 = tpu.memref_squeeze %dma_wait3A_348 : memref<1x1x256x32xf32, #tpu.memory_space<hbm>> -> memref<256x32xf32, #tpu.memory_space<hbm>>
        %dma_wait3A_350 = arith.constant 0 : i32
        %dma_wait3A_351 = arith.constant 0 : i32
        %dma_wait3A_352 = tpu.memref_slice %arg4[%add3A, %sub3A_345, %dma_wait3A_350, %dma_wait3A_351] : memref<32x100x256x32xf32, #tpu.memory_space<hbm>> -> memref<1x1x256x32xf32, #tpu.memory_space<hbm>>
        %dma_wait3A_353 = tpu.memref_squeeze %dma_wait3A_352 : memref<1x1x256x32xf32, #tpu.memory_space<hbm>> -> memref<256x32xf32, #tpu.memory_space<hbm>>
        tpu.wait_dma2 semaphore(%arg31 : memref<!tpu.dma_semaphore, #tpu.memory_space<semaphore_mem>>) src(%arg11 : memref<256x32xf32, #tpu.memory_space<vmem>>) dst(%dma_wait3A_353 : memref<256x32xf32, #tpu.memory_space<hbm>>)
        %add3A_354 = arith.constant 5 : i32
        %add3A_355 = arith.addi %add3A_88, %add3A_354 : i32
        %dma_start3A_356 = arith.constant 0 : i32
        %dma_start3A_357 = tpu.memref_slice %arg5[%add3A_355, %dma_start3A_356] : memref<100x256xi32, #tpu.memory_space<vmem>> -> memref<1x256xi32, #tpu.memory_space<vmem>>
        %dma_start3A_358 = tpu.memref_squeeze %dma_start3A_357 : memref<1x256xi32, #tpu.memory_space<vmem>> -> memref<256xi32, #tpu.memory_space<vmem>>
        %dma_start3A_359 = arith.constant 0 : i32
        %dma_start3A_360 = arith.constant 0 : i32
        %dma_start3A_361 = tpu.memref_slice %arg2[%dma_start3A_359, %dma_start3A_360] : memref<1000000x32xf32, #tpu.memory_space<hbm>> -> memref<1000000x32xf32, #tpu.memory_space<hbm>>
        tpu.enqueue_indirect_dma source(%dma_start3A_361 : memref<1000000x32xf32, #tpu.memory_space<hbm>>) target(%arg11 : memref<256x32xf32, #tpu.memory_space<vmem>>) offsets(%dma_start3A_358 : memref<256xi32, #tpu.memory_space<vmem>>) semaphore(%arg21 : memref<!tpu.dma_semaphore, #tpu.memory_space<semaphore_mem>>)
      } else {
      }
      %eq3A = arith.constant 0 : i32
      %eq3A_105 = arith.cmpi eq, %scan3A_84, %eq3A : i32
      %convert_element_type3A_106 = arith.extui %eq3A_105 : i1 to i32
      %cond3A_107 = arith.constant 0 : i32
      %cond3A_108 = arith.cmpi ne, %convert_element_type3A_106, %cond3A_107 : i32
      scf.if %cond3A_108 {
        %add3A_345 = arith.constant 5 : i32
        %add3A_346 = arith.addi %add3A_88, %add3A_345 : i32
        %dma_start3A_347 = arith.constant 0 : i32
        %dma_start3A_348 = tpu.memref_slice %arg5[%add3A_346, %dma_start3A_347] : memref<100x256xi32, #tpu.memory_space<vmem>> -> memref<1x256xi32, #tpu.memory_space<vmem>>
        %dma_start3A_349 = tpu.memref_squeeze %dma_start3A_348 : memref<1x256xi32, #tpu.memory_space<vmem>> -> memref<256xi32, #tpu.memory_space<vmem>>
        %dma_start3A_350 = arith.constant 0 : i32
        %dma_start3A_351 = arith.constant 0 : i32
        %dma_start3A_352 = tpu.memref_slice %arg2[%dma_start3A_350, %dma_start3A_351] : memref<1000000x32xf32, #tpu.memory_space<hbm>> -> memref<1000000x32xf32, #tpu.memory_space<hbm>>
        tpu.enqueue_indirect_dma source(%dma_start3A_352 : memref<1000000x32xf32, #tpu.memory_space<hbm>>) target(%arg11 : memref<256x32xf32, #tpu.memory_space<vmem>>) offsets(%dma_start3A_349 : memref<256xi32, #tpu.memory_space<vmem>>) semaphore(%arg21 : memref<!tpu.dma_semaphore, #tpu.memory_space<semaphore_mem>>)
      } else {
      }
      %mul3A_109 = arith.constant 10 : i32
      %mul3A_110 = arith.muli %scan3A_84, %mul3A_109 : i32
      %add3A_111 = arith.constant 1 : i32
      %add3A_112 = arith.addi %mul3A_110, %add3A_111 : i32
      %dma_wait3A_113 = arith.constant 0 : i32
      %dma_wait3A_114 = tpu.memref_slice %arg5[%add3A_112, %dma_wait3A_113] : memref<100x256xi32, #tpu.memory_space<vmem>> -> memref<1x256xi32, #tpu.memory_space<vmem>>
      %dma_wait3A_115 = tpu.memref_squeeze %dma_wait3A_114 : memref<1x256xi32, #tpu.memory_space<vmem>> -> memref<256xi32, #tpu.memory_space<vmem>>
      %dma_wait3A_116 = arith.constant 0 : i32
      %dma_wait3A_117 = arith.constant 0 : i32
      %dma_wait3A_118 = tpu.memref_slice %arg2[%dma_wait3A_116, %dma_wait3A_117] : memref<1000000x32xf32, #tpu.memory_space<hbm>> -> memref<1000000x32xf32, #tpu.memory_space<hbm>>
      tpu.wait_indirect_dma semaphore(%arg17 : memref<!tpu.dma_semaphore, #tpu.memory_space<semaphore_mem>>) src(%dma_wait3A_118 : memref<1000000x32xf32, #tpu.memory_space<hbm>>) dst(%arg7 : memref<256x32xf32, #tpu.memory_space<vmem>>)
      %dma_start3A_119 = arith.constant 0 : i32
      %dma_start3A_120 = arith.constant 0 : i32
      %dma_start3A_121 = tpu.memref_slice %arg4[%add3A, %add3A_112, %dma_start3A_119, %dma_start3A_120] : memref<32x100x256x32xf32, #tpu.memory_space<hbm>> -> memref<1x1x256x32xf32, #tpu.memory_space<hbm>>
      %dma_start3A_122 = tpu.memref_squeeze %dma_start3A_121 : memref<1x1x256x32xf32, #tpu.memory_space<hbm>> -> memref<256x32xf32, #tpu.memory_space<hbm>>
      %dma_start3A_123 = arith.constant 0 : i32
      %dma_start3A_124 = arith.constant 0 : i32
      %dma_start3A_125 = tpu.memref_slice %arg4[%add3A, %add3A_112, %dma_start3A_123, %dma_start3A_124] : memref<32x100x256x32xf32, #tpu.memory_space<hbm>> -> memref<1x1x256x32xf32, #tpu.memory_space<hbm>>
      %dma_start3A_126 = tpu.memref_squeeze %dma_start3A_125 : memref<1x1x256x32xf32, #tpu.memory_space<hbm>> -> memref<256x32xf32, #tpu.memory_space<hbm>>
      tpu.enqueue_dma source(%arg7 : memref<256x32xf32, #tpu.memory_space<vmem>>) target(%dma_start3A_126 : memref<256x32xf32, #tpu.memory_space<hbm>>) target_semaphore(%arg27 : memref<!tpu.dma_semaphore, #tpu.memory_space<semaphore_mem>>)
      %gt3A_127 = arith.constant 0 : i32
      %gt3A_128 = arith.cmpi sgt, %scan3A_84, %gt3A_127 : i32
      %convert_element_type3A_129 = arith.extui %gt3A_128 : i1 to i32
      %cond3A_130 = arith.constant 0 : i32
      %cond3A_131 = arith.cmpi ne, %convert_element_type3A_129, %cond3A_130 : i32
      scf.if %cond3A_131 {
        %sub3A = arith.constant 5 : i32
        %sub3A_345 = arith.subi %add3A_112, %sub3A : i32
        %dma_wait3A_346 = arith.constant 0 : i32
        %dma_wait3A_347 = arith.constant 0 : i32
        %dma_wait3A_348 = tpu.memref_slice %arg4[%add3A, %sub3A_345, %dma_wait3A_346, %dma_wait3A_347] : memref<32x100x256x32xf32, #tpu.memory_space<hbm>> -> memref<1x1x256x32xf32, #tpu.memory_space<hbm>>
        %dma_wait3A_349 = tpu.memref_squeeze %dma_wait3A_348 : memref<1x1x256x32xf32, #tpu.memory_space<hbm>> -> memref<256x32xf32, #tpu.memory_space<hbm>>
        %dma_wait3A_350 = arith.constant 0 : i32
        %dma_wait3A_351 = arith.constant 0 : i32
        %dma_wait3A_352 = tpu.memref_slice %arg4[%add3A, %sub3A_345, %dma_wait3A_350, %dma_wait3A_351] : memref<32x100x256x32xf32, #tpu.memory_space<hbm>> -> memref<1x1x256x32xf32, #tpu.memory_space<hbm>>
        %dma_wait3A_353 = tpu.memref_squeeze %dma_wait3A_352 : memref<1x1x256x32xf32, #tpu.memory_space<hbm>> -> memref<256x32xf32, #tpu.memory_space<hbm>>
        tpu.wait_dma2 semaphore(%arg32 : memref<!tpu.dma_semaphore, #tpu.memory_space<semaphore_mem>>) src(%arg12 : memref<256x32xf32, #tpu.memory_space<vmem>>) dst(%dma_wait3A_353 : memref<256x32xf32, #tpu.memory_space<hbm>>)
        %add3A_354 = arith.constant 5 : i32
        %add3A_355 = arith.addi %add3A_112, %add3A_354 : i32
        %dma_start3A_356 = arith.constant 0 : i32
        %dma_start3A_357 = tpu.memref_slice %arg5[%add3A_355, %dma_start3A_356] : memref<100x256xi32, #tpu.memory_space<vmem>> -> memref<1x256xi32, #tpu.memory_space<vmem>>
        %dma_start3A_358 = tpu.memref_squeeze %dma_start3A_357 : memref<1x256xi32, #tpu.memory_space<vmem>> -> memref<256xi32, #tpu.memory_space<vmem>>
        %dma_start3A_359 = arith.constant 0 : i32
        %dma_start3A_360 = arith.constant 0 : i32
        %dma_start3A_361 = tpu.memref_slice %arg2[%dma_start3A_359, %dma_start3A_360] : memref<1000000x32xf32, #tpu.memory_space<hbm>> -> memref<1000000x32xf32, #tpu.memory_space<hbm>>
        tpu.enqueue_indirect_dma source(%dma_start3A_361 : memref<1000000x32xf32, #tpu.memory_space<hbm>>) target(%arg12 : memref<256x32xf32, #tpu.memory_space<vmem>>) offsets(%dma_start3A_358 : memref<256xi32, #tpu.memory_space<vmem>>) semaphore(%arg22 : memref<!tpu.dma_semaphore, #tpu.memory_space<semaphore_mem>>)
      } else {
      }
      %eq3A_132 = arith.constant 0 : i32
      %eq3A_133 = arith.cmpi eq, %scan3A_84, %eq3A_132 : i32
      %convert_element_type3A_134 = arith.extui %eq3A_133 : i1 to i32
      %cond3A_135 = arith.constant 0 : i32
      %cond3A_136 = arith.cmpi ne, %convert_element_type3A_134, %cond3A_135 : i32
      scf.if %cond3A_136 {
        %add3A_345 = arith.constant 5 : i32
        %add3A_346 = arith.addi %add3A_112, %add3A_345 : i32
        %dma_start3A_347 = arith.constant 0 : i32
        %dma_start3A_348 = tpu.memref_slice %arg5[%add3A_346, %dma_start3A_347] : memref<100x256xi32, #tpu.memory_space<vmem>> -> memref<1x256xi32, #tpu.memory_space<vmem>>
        %dma_start3A_349 = tpu.memref_squeeze %dma_start3A_348 : memref<1x256xi32, #tpu.memory_space<vmem>> -> memref<256xi32, #tpu.memory_space<vmem>>
        %dma_start3A_350 = arith.constant 0 : i32
        %dma_start3A_351 = arith.constant 0 : i32
        %dma_start3A_352 = tpu.memref_slice %arg2[%dma_start3A_350, %dma_start3A_351] : memref<1000000x32xf32, #tpu.memory_space<hbm>> -> memref<1000000x32xf32, #tpu.memory_space<hbm>>
        tpu.enqueue_indirect_dma source(%dma_start3A_352 : memref<1000000x32xf32, #tpu.memory_space<hbm>>) target(%arg12 : memref<256x32xf32, #tpu.memory_space<vmem>>) offsets(%dma_start3A_349 : memref<256xi32, #tpu.memory_space<vmem>>) semaphore(%arg22 : memref<!tpu.dma_semaphore, #tpu.memory_space<semaphore_mem>>)
      } else {
      }
      %mul3A_137 = arith.constant 10 : i32
      %mul3A_138 = arith.muli %scan3A_84, %mul3A_137 : i32
      %add3A_139 = arith.constant 2 : i32
      %add3A_140 = arith.addi %mul3A_138, %add3A_139 : i32
      %dma_wait3A_141 = arith.constant 0 : i32
      %dma_wait3A_142 = tpu.memref_slice %arg5[%add3A_140, %dma_wait3A_141] : memref<100x256xi32, #tpu.memory_space<vmem>> -> memref<1x256xi32, #tpu.memory_space<vmem>>
      %dma_wait3A_143 = tpu.memref_squeeze %dma_wait3A_142 : memref<1x256xi32, #tpu.memory_space<vmem>> -> memref<256xi32, #tpu.memory_space<vmem>>
      %dma_wait3A_144 = arith.constant 0 : i32
      %dma_wait3A_145 = arith.constant 0 : i32
      %dma_wait3A_146 = tpu.memref_slice %arg2[%dma_wait3A_144, %dma_wait3A_145] : memref<1000000x32xf32, #tpu.memory_space<hbm>> -> memref<1000000x32xf32, #tpu.memory_space<hbm>>
      tpu.wait_indirect_dma semaphore(%arg18 : memref<!tpu.dma_semaphore, #tpu.memory_space<semaphore_mem>>) src(%dma_wait3A_146 : memref<1000000x32xf32, #tpu.memory_space<hbm>>) dst(%arg8 : memref<256x32xf32, #tpu.memory_space<vmem>>)
      %dma_start3A_147 = arith.constant 0 : i32
      %dma_start3A_148 = arith.constant 0 : i32
      %dma_start3A_149 = tpu.memref_slice %arg4[%add3A, %add3A_140, %dma_start3A_147, %dma_start3A_148] : memref<32x100x256x32xf32, #tpu.memory_space<hbm>> -> memref<1x1x256x32xf32, #tpu.memory_space<hbm>>
      %dma_start3A_150 = tpu.memref_squeeze %dma_start3A_149 : memref<1x1x256x32xf32, #tpu.memory_space<hbm>> -> memref<256x32xf32, #tpu.memory_space<hbm>>
      %dma_start3A_151 = arith.constant 0 : i32
      %dma_start3A_152 = arith.constant 0 : i32
      %dma_start3A_153 = tpu.memref_slice %arg4[%add3A, %add3A_140, %dma_start3A_151, %dma_start3A_152] : memref<32x100x256x32xf32, #tpu.memory_space<hbm>> -> memref<1x1x256x32xf32, #tpu.memory_space<hbm>>
      %dma_start3A_154 = tpu.memref_squeeze %dma_start3A_153 : memref<1x1x256x32xf32, #tpu.memory_space<hbm>> -> memref<256x32xf32, #tpu.memory_space<hbm>>
      tpu.enqueue_dma source(%arg8 : memref<256x32xf32, #tpu.memory_space<vmem>>) target(%dma_start3A_154 : memref<256x32xf32, #tpu.memory_space<hbm>>) target_semaphore(%arg28 : memref<!tpu.dma_semaphore, #tpu.memory_space<semaphore_mem>>)
      %gt3A_155 = arith.constant 0 : i32
      %gt3A_156 = arith.cmpi sgt, %scan3A_84, %gt3A_155 : i32
      %convert_element_type3A_157 = arith.extui %gt3A_156 : i1 to i32
      %cond3A_158 = arith.constant 0 : i32
      %cond3A_159 = arith.cmpi ne, %convert_element_type3A_157, %cond3A_158 : i32
      scf.if %cond3A_159 {
        %sub3A = arith.constant 5 : i32
        %sub3A_345 = arith.subi %add3A_140, %sub3A : i32
        %dma_wait3A_346 = arith.constant 0 : i32
        %dma_wait3A_347 = arith.constant 0 : i32
        %dma_wait3A_348 = tpu.memref_slice %arg4[%add3A, %sub3A_345, %dma_wait3A_346, %dma_wait3A_347] : memref<32x100x256x32xf32, #tpu.memory_space<hbm>> -> memref<1x1x256x32xf32, #tpu.memory_space<hbm>>
        %dma_wait3A_349 = tpu.memref_squeeze %dma_wait3A_348 : memref<1x1x256x32xf32, #tpu.memory_space<hbm>> -> memref<256x32xf32, #tpu.memory_space<hbm>>
        %dma_wait3A_350 = arith.constant 0 : i32
        %dma_wait3A_351 = arith.constant 0 : i32
        %dma_wait3A_352 = tpu.memref_slice %arg4[%add3A, %sub3A_345, %dma_wait3A_350, %dma_wait3A_351] : memref<32x100x256x32xf32, #tpu.memory_space<hbm>> -> memref<1x1x256x32xf32, #tpu.memory_space<hbm>>
        %dma_wait3A_353 = tpu.memref_squeeze %dma_wait3A_352 : memref<1x1x256x32xf32, #tpu.memory_space<hbm>> -> memref<256x32xf32, #tpu.memory_space<hbm>>
        tpu.wait_dma2 semaphore(%arg33 : memref<!tpu.dma_semaphore, #tpu.memory_space<semaphore_mem>>) src(%arg13 : memref<256x32xf32, #tpu.memory_space<vmem>>) dst(%dma_wait3A_353 : memref<256x32xf32, #tpu.memory_space<hbm>>)
        %add3A_354 = arith.constant 5 : i32
        %add3A_355 = arith.addi %add3A_140, %add3A_354 : i32
        %dma_start3A_356 = arith.constant 0 : i32
        %dma_start3A_357 = tpu.memref_slice %arg5[%add3A_355, %dma_start3A_356] : memref<100x256xi32, #tpu.memory_space<vmem>> -> memref<1x256xi32, #tpu.memory_space<vmem>>
        %dma_start3A_358 = tpu.memref_squeeze %dma_start3A_357 : memref<1x256xi32, #tpu.memory_space<vmem>> -> memref<256xi32, #tpu.memory_space<vmem>>
        %dma_start3A_359 = arith.constant 0 : i32
        %dma_start3A_360 = arith.constant 0 : i32
        %dma_start3A_361 = tpu.memref_slice %arg2[%dma_start3A_359, %dma_start3A_360] : memref<1000000x32xf32, #tpu.memory_space<hbm>> -> memref<1000000x32xf32, #tpu.memory_space<hbm>>
        tpu.enqueue_indirect_dma source(%dma_start3A_361 : memref<1000000x32xf32, #tpu.memory_space<hbm>>) target(%arg13 : memref<256x32xf32, #tpu.memory_space<vmem>>) offsets(%dma_start3A_358 : memref<256xi32, #tpu.memory_space<vmem>>) semaphore(%arg23 : memref<!tpu.dma_semaphore, #tpu.memory_space<semaphore_mem>>)
      } else {
      }
      %eq3A_160 = arith.constant 0 : i32
      %eq3A_161 = arith.cmpi eq, %scan3A_84, %eq3A_160 : i32
      %convert_element_type3A_162 = arith.extui %eq3A_161 : i1 to i32
      %cond3A_163 = arith.constant 0 : i32
      %cond3A_164 = arith.cmpi ne, %convert_element_type3A_162, %cond3A_163 : i32
      scf.if %cond3A_164 {
        %add3A_345 = arith.constant 5 : i32
        %add3A_346 = arith.addi %add3A_140, %add3A_345 : i32
        %dma_start3A_347 = arith.constant 0 : i32
        %dma_start3A_348 = tpu.memref_slice %arg5[%add3A_346, %dma_start3A_347] : memref<100x256xi32, #tpu.memory_space<vmem>> -> memref<1x256xi32, #tpu.memory_space<vmem>>
        %dma_start3A_349 = tpu.memref_squeeze %dma_start3A_348 : memref<1x256xi32, #tpu.memory_space<vmem>> -> memref<256xi32, #tpu.memory_space<vmem>>
        %dma_start3A_350 = arith.constant 0 : i32
        %dma_start3A_351 = arith.constant 0 : i32
        %dma_start3A_352 = tpu.memref_slice %arg2[%dma_start3A_350, %dma_start3A_351] : memref<1000000x32xf32, #tpu.memory_space<hbm>> -> memref<1000000x32xf32, #tpu.memory_space<hbm>>
        tpu.enqueue_indirect_dma source(%dma_start3A_352 : memref<1000000x32xf32, #tpu.memory_space<hbm>>) target(%arg13 : memref<256x32xf32, #tpu.memory_space<vmem>>) offsets(%dma_start3A_349 : memref<256xi32, #tpu.memory_space<vmem>>) semaphore(%arg23 : memref<!tpu.dma_semaphore, #tpu.memory_space<semaphore_mem>>)
      } else {
      }
      %mul3A_165 = arith.constant 10 : i32
      %mul3A_166 = arith.muli %scan3A_84, %mul3A_165 : i32
      %add3A_167 = arith.constant 3 : i32
      %add3A_168 = arith.addi %mul3A_166, %add3A_167 : i32
      %dma_wait3A_169 = arith.constant 0 : i32
      %dma_wait3A_170 = tpu.memref_slice %arg5[%add3A_168, %dma_wait3A_169] : memref<100x256xi32, #tpu.memory_space<vmem>> -> memref<1x256xi32, #tpu.memory_space<vmem>>
      %dma_wait3A_171 = tpu.memref_squeeze %dma_wait3A_170 : memref<1x256xi32, #tpu.memory_space<vmem>> -> memref<256xi32, #tpu.memory_space<vmem>>
      %dma_wait3A_172 = arith.constant 0 : i32
      %dma_wait3A_173 = arith.constant 0 : i32
      %dma_wait3A_174 = tpu.memref_slice %arg2[%dma_wait3A_172, %dma_wait3A_173] : memref<1000000x32xf32, #tpu.memory_space<hbm>> -> memref<1000000x32xf32, #tpu.memory_space<hbm>>
      tpu.wait_indirect_dma semaphore(%arg19 : memref<!tpu.dma_semaphore, #tpu.memory_space<semaphore_mem>>) src(%dma_wait3A_174 : memref<1000000x32xf32, #tpu.memory_space<hbm>>) dst(%arg9 : memref<256x32xf32, #tpu.memory_space<vmem>>)
      %dma_start3A_175 = arith.constant 0 : i32
      %dma_start3A_176 = arith.constant 0 : i32
      %dma_start3A_177 = tpu.memref_slice %arg4[%add3A, %add3A_168, %dma_start3A_175, %dma_start3A_176] : memref<32x100x256x32xf32, #tpu.memory_space<hbm>> -> memref<1x1x256x32xf32, #tpu.memory_space<hbm>>
      %dma_start3A_178 = tpu.memref_squeeze %dma_start3A_177 : memref<1x1x256x32xf32, #tpu.memory_space<hbm>> -> memref<256x32xf32, #tpu.memory_space<hbm>>
      %dma_start3A_179 = arith.constant 0 : i32
      %dma_start3A_180 = arith.constant 0 : i32
      %dma_start3A_181 = tpu.memref_slice %arg4[%add3A, %add3A_168, %dma_start3A_179, %dma_start3A_180] : memref<32x100x256x32xf32, #tpu.memory_space<hbm>> -> memref<1x1x256x32xf32, #tpu.memory_space<hbm>>
      %dma_start3A_182 = tpu.memref_squeeze %dma_start3A_181 : memref<1x1x256x32xf32, #tpu.memory_space<hbm>> -> memref<256x32xf32, #tpu.memory_space<hbm>>
      tpu.enqueue_dma source(%arg9 : memref<256x32xf32, #tpu.memory_space<vmem>>) target(%dma_start3A_182 : memref<256x32xf32, #tpu.memory_space<hbm>>) target_semaphore(%arg29 : memref<!tpu.dma_semaphore, #tpu.memory_space<semaphore_mem>>)
      %gt3A_183 = arith.constant 0 : i32
      %gt3A_184 = arith.cmpi sgt, %scan3A_84, %gt3A_183 : i32
      %convert_element_type3A_185 = arith.extui %gt3A_184 : i1 to i32
      %cond3A_186 = arith.constant 0 : i32
      %cond3A_187 = arith.cmpi ne, %convert_element_type3A_185, %cond3A_186 : i32
      scf.if %cond3A_187 {
        %sub3A = arith.constant 5 : i32
        %sub3A_345 = arith.subi %add3A_168, %sub3A : i32
        %dma_wait3A_346 = arith.constant 0 : i32
        %dma_wait3A_347 = arith.constant 0 : i32
        %dma_wait3A_348 = tpu.memref_slice %arg4[%add3A, %sub3A_345, %dma_wait3A_346, %dma_wait3A_347] : memref<32x100x256x32xf32, #tpu.memory_space<hbm>> -> memref<1x1x256x32xf32, #tpu.memory_space<hbm>>
        %dma_wait3A_349 = tpu.memref_squeeze %dma_wait3A_348 : memref<1x1x256x32xf32, #tpu.memory_space<hbm>> -> memref<256x32xf32, #tpu.memory_space<hbm>>
        %dma_wait3A_350 = arith.constant 0 : i32
        %dma_wait3A_351 = arith.constant 0 : i32
        %dma_wait3A_352 = tpu.memref_slice %arg4[%add3A, %sub3A_345, %dma_wait3A_350, %dma_wait3A_351] : memref<32x100x256x32xf32, #tpu.memory_space<hbm>> -> memref<1x1x256x32xf32, #tpu.memory_space<hbm>>
        %dma_wait3A_353 = tpu.memref_squeeze %dma_wait3A_352 : memref<1x1x256x32xf32, #tpu.memory_space<hbm>> -> memref<256x32xf32, #tpu.memory_space<hbm>>
        tpu.wait_dma2 semaphore(%arg34 : memref<!tpu.dma_semaphore, #tpu.memory_space<semaphore_mem>>) src(%arg14 : memref<256x32xf32, #tpu.memory_space<vmem>>) dst(%dma_wait3A_353 : memref<256x32xf32, #tpu.memory_space<hbm>>)
        %add3A_354 = arith.constant 5 : i32
        %add3A_355 = arith.addi %add3A_168, %add3A_354 : i32
        %dma_start3A_356 = arith.constant 0 : i32
        %dma_start3A_357 = tpu.memref_slice %arg5[%add3A_355, %dma_start3A_356] : memref<100x256xi32, #tpu.memory_space<vmem>> -> memref<1x256xi32, #tpu.memory_space<vmem>>
        %dma_start3A_358 = tpu.memref_squeeze %dma_start3A_357 : memref<1x256xi32, #tpu.memory_space<vmem>> -> memref<256xi32, #tpu.memory_space<vmem>>
        %dma_start3A_359 = arith.constant 0 : i32
        %dma_start3A_360 = arith.constant 0 : i32
        %dma_start3A_361 = tpu.memref_slice %arg2[%dma_start3A_359, %dma_start3A_360] : memref<1000000x32xf32, #tpu.memory_space<hbm>> -> memref<1000000x32xf32, #tpu.memory_space<hbm>>
        tpu.enqueue_indirect_dma source(%dma_start3A_361 : memref<1000000x32xf32, #tpu.memory_space<hbm>>) target(%arg14 : memref<256x32xf32, #tpu.memory_space<vmem>>) offsets(%dma_start3A_358 : memref<256xi32, #tpu.memory_space<vmem>>) semaphore(%arg24 : memref<!tpu.dma_semaphore, #tpu.memory_space<semaphore_mem>>)
      } else {
      }
      %eq3A_188 = arith.constant 0 : i32
      %eq3A_189 = arith.cmpi eq, %scan3A_84, %eq3A_188 : i32
      %convert_element_type3A_190 = arith.extui %eq3A_189 : i1 to i32
      %cond3A_191 = arith.constant 0 : i32
      %cond3A_192 = arith.cmpi ne, %convert_element_type3A_190, %cond3A_191 : i32
      scf.if %cond3A_192 {
        %add3A_345 = arith.constant 5 : i32
        %add3A_346 = arith.addi %add3A_168, %add3A_345 : i32
        %dma_start3A_347 = arith.constant 0 : i32
        %dma_start3A_348 = tpu.memref_slice %arg5[%add3A_346, %dma_start3A_347] : memref<100x256xi32, #tpu.memory_space<vmem>> -> memref<1x256xi32, #tpu.memory_space<vmem>>
        %dma_start3A_349 = tpu.memref_squeeze %dma_start3A_348 : memref<1x256xi32, #tpu.memory_space<vmem>> -> memref<256xi32, #tpu.memory_space<vmem>>
        %dma_start3A_350 = arith.constant 0 : i32
        %dma_start3A_351 = arith.constant 0 : i32
        %dma_start3A_352 = tpu.memref_slice %arg2[%dma_start3A_350, %dma_start3A_351] : memref<1000000x32xf32, #tpu.memory_space<hbm>> -> memref<1000000x32xf32, #tpu.memory_space<hbm>>
        tpu.enqueue_indirect_dma source(%dma_start3A_352 : memref<1000000x32xf32, #tpu.memory_space<hbm>>) target(%arg14 : memref<256x32xf32, #tpu.memory_space<vmem>>) offsets(%dma_start3A_349 : memref<256xi32, #tpu.memory_space<vmem>>) semaphore(%arg24 : memref<!tpu.dma_semaphore, #tpu.memory_space<semaphore_mem>>)
      } else {
      }
      %mul3A_193 = arith.constant 10 : i32
      %mul3A_194 = arith.muli %scan3A_84, %mul3A_193 : i32
      %add3A_195 = arith.constant 4 : i32
      %add3A_196 = arith.addi %mul3A_194, %add3A_195 : i32
      %dma_wait3A_197 = arith.constant 0 : i32
      %dma_wait3A_198 = tpu.memref_slice %arg5[%add3A_196, %dma_wait3A_197] : memref<100x256xi32, #tpu.memory_space<vmem>> -> memref<1x256xi32, #tpu.memory_space<vmem>>
      %dma_wait3A_199 = tpu.memref_squeeze %dma_wait3A_198 : memref<1x256xi32, #tpu.memory_space<vmem>> -> memref<256xi32, #tpu.memory_space<vmem>>
      %dma_wait3A_200 = arith.constant 0 : i32
      %dma_wait3A_201 = arith.constant 0 : i32
      %dma_wait3A_202 = tpu.memref_slice %arg2[%dma_wait3A_200, %dma_wait3A_201] : memref<1000000x32xf32, #tpu.memory_space<hbm>> -> memref<1000000x32xf32, #tpu.memory_space<hbm>>
      tpu.wait_indirect_dma semaphore(%arg20 : memref<!tpu.dma_semaphore, #tpu.memory_space<semaphore_mem>>) src(%dma_wait3A_202 : memref<1000000x32xf32, #tpu.memory_space<hbm>>) dst(%arg10 : memref<256x32xf32, #tpu.memory_space<vmem>>)
      %dma_start3A_203 = arith.constant 0 : i32
      %dma_start3A_204 = arith.constant 0 : i32
      %dma_start3A_205 = tpu.memref_slice %arg4[%add3A, %add3A_196, %dma_start3A_203, %dma_start3A_204] : memref<32x100x256x32xf32, #tpu.memory_space<hbm>> -> memref<1x1x256x32xf32, #tpu.memory_space<hbm>>
      %dma_start3A_206 = tpu.memref_squeeze %dma_start3A_205 : memref<1x1x256x32xf32, #tpu.memory_space<hbm>> -> memref<256x32xf32, #tpu.memory_space<hbm>>
      %dma_start3A_207 = arith.constant 0 : i32
      %dma_start3A_208 = arith.constant 0 : i32
      %dma_start3A_209 = tpu.memref_slice %arg4[%add3A, %add3A_196, %dma_start3A_207, %dma_start3A_208] : memref<32x100x256x32xf32, #tpu.memory_space<hbm>> -> memref<1x1x256x32xf32, #tpu.memory_space<hbm>>
      %dma_start3A_210 = tpu.memref_squeeze %dma_start3A_209 : memref<1x1x256x32xf32, #tpu.memory_space<hbm>> -> memref<256x32xf32, #tpu.memory_space<hbm>>
      tpu.enqueue_dma source(%arg10 : memref<256x32xf32, #tpu.memory_space<vmem>>) target(%dma_start3A_210 : memref<256x32xf32, #tpu.memory_space<hbm>>) target_semaphore(%arg30 : memref<!tpu.dma_semaphore, #tpu.memory_space<semaphore_mem>>)
      %gt3A_211 = arith.constant 0 : i32
      %gt3A_212 = arith.cmpi sgt, %scan3A_84, %gt3A_211 : i32
      %convert_element_type3A_213 = arith.extui %gt3A_212 : i1 to i32
      %cond3A_214 = arith.constant 0 : i32
      %cond3A_215 = arith.cmpi ne, %convert_element_type3A_213, %cond3A_214 : i32
      scf.if %cond3A_215 {
        %sub3A = arith.constant 5 : i32
        %sub3A_345 = arith.subi %add3A_196, %sub3A : i32
        %dma_wait3A_346 = arith.constant 0 : i32
        %dma_wait3A_347 = arith.constant 0 : i32
        %dma_wait3A_348 = tpu.memref_slice %arg4[%add3A, %sub3A_345, %dma_wait3A_346, %dma_wait3A_347] : memref<32x100x256x32xf32, #tpu.memory_space<hbm>> -> memref<1x1x256x32xf32, #tpu.memory_space<hbm>>
        %dma_wait3A_349 = tpu.memref_squeeze %dma_wait3A_348 : memref<1x1x256x32xf32, #tpu.memory_space<hbm>> -> memref<256x32xf32, #tpu.memory_space<hbm>>
        %dma_wait3A_350 = arith.constant 0 : i32
        %dma_wait3A_351 = arith.constant 0 : i32
        %dma_wait3A_352 = tpu.memref_slice %arg4[%add3A, %sub3A_345, %dma_wait3A_350, %dma_wait3A_351] : memref<32x100x256x32xf32, #tpu.memory_space<hbm>> -> memref<1x1x256x32xf32, #tpu.memory_space<hbm>>
        %dma_wait3A_353 = tpu.memref_squeeze %dma_wait3A_352 : memref<1x1x256x32xf32, #tpu.memory_space<hbm>> -> memref<256x32xf32, #tpu.memory_space<hbm>>
        tpu.wait_dma2 semaphore(%arg35 : memref<!tpu.dma_semaphore, #tpu.memory_space<semaphore_mem>>) src(%arg15 : memref<256x32xf32, #tpu.memory_space<vmem>>) dst(%dma_wait3A_353 : memref<256x32xf32, #tpu.memory_space<hbm>>)
        %add3A_354 = arith.constant 5 : i32
        %add3A_355 = arith.addi %add3A_196, %add3A_354 : i32
        %dma_start3A_356 = arith.constant 0 : i32
        %dma_start3A_357 = tpu.memref_slice %arg5[%add3A_355, %dma_start3A_356] : memref<100x256xi32, #tpu.memory_space<vmem>> -> memref<1x256xi32, #tpu.memory_space<vmem>>
        %dma_start3A_358 = tpu.memref_squeeze %dma_start3A_357 : memref<1x256xi32, #tpu.memory_space<vmem>> -> memref<256xi32, #tpu.memory_space<vmem>>
        %dma_start3A_359 = arith.constant 0 : i32
        %dma_start3A_360 = arith.constant 0 : i32
        %dma_start3A_361 = tpu.memref_slice %arg2[%dma_start3A_359, %dma_start3A_360] : memref<1000000x32xf32, #tpu.memory_space<hbm>> -> memref<1000000x32xf32, #tpu.memory_space<hbm>>
        tpu.enqueue_indirect_dma source(%dma_start3A_361 : memref<1000000x32xf32, #tpu.memory_space<hbm>>) target(%arg15 : memref<256x32xf32, #tpu.memory_space<vmem>>) offsets(%dma_start3A_358 : memref<256xi32, #tpu.memory_space<vmem>>) semaphore(%arg25 : memref<!tpu.dma_semaphore, #tpu.memory_space<semaphore_mem>>)
      } else {
      }
      %eq3A_216 = arith.constant 0 : i32
      %eq3A_217 = arith.cmpi eq, %scan3A_84, %eq3A_216 : i32
      %convert_element_type3A_218 = arith.extui %eq3A_217 : i1 to i32
      %cond3A_219 = arith.constant 0 : i32
      %cond3A_220 = arith.cmpi ne, %convert_element_type3A_218, %cond3A_219 : i32
      scf.if %cond3A_220 {
        %add3A_345 = arith.constant 5 : i32
        %add3A_346 = arith.addi %add3A_196, %add3A_345 : i32
        %dma_start3A_347 = arith.constant 0 : i32
        %dma_start3A_348 = tpu.memref_slice %arg5[%add3A_346, %dma_start3A_347] : memref<100x256xi32, #tpu.memory_space<vmem>> -> memref<1x256xi32, #tpu.memory_space<vmem>>
        %dma_start3A_349 = tpu.memref_squeeze %dma_start3A_348 : memref<1x256xi32, #tpu.memory_space<vmem>> -> memref<256xi32, #tpu.memory_space<vmem>>
        %dma_start3A_350 = arith.constant 0 : i32
        %dma_start3A_351 = arith.constant 0 : i32
        %dma_start3A_352 = tpu.memref_slice %arg2[%dma_start3A_350, %dma_start3A_351] : memref<1000000x32xf32, #tpu.memory_space<hbm>> -> memref<1000000x32xf32, #tpu.memory_space<hbm>>
        tpu.enqueue_indirect_dma source(%dma_start3A_352 : memref<1000000x32xf32, #tpu.memory_space<hbm>>) target(%arg15 : memref<256x32xf32, #tpu.memory_space<vmem>>) offsets(%dma_start3A_349 : memref<256xi32, #tpu.memory_space<vmem>>) semaphore(%arg25 : memref<!tpu.dma_semaphore, #tpu.memory_space<semaphore_mem>>)
      } else {
      }
      %mul3A_221 = arith.constant 10 : i32
      %mul3A_222 = arith.muli %scan3A_84, %mul3A_221 : i32
      %add3A_223 = arith.constant 5 : i32
      %add3A_224 = arith.addi %mul3A_222, %add3A_223 : i32
      %dma_wait3A_225 = arith.constant 0 : i32
      %dma_wait3A_226 = tpu.memref_slice %arg5[%add3A_224, %dma_wait3A_225] : memref<100x256xi32, #tpu.memory_space<vmem>> -> memref<1x256xi32, #tpu.memory_space<vmem>>
      %dma_wait3A_227 = tpu.memref_squeeze %dma_wait3A_226 : memref<1x256xi32, #tpu.memory_space<vmem>> -> memref<256xi32, #tpu.memory_space<vmem>>
      %dma_wait3A_228 = arith.constant 0 : i32
      %dma_wait3A_229 = arith.constant 0 : i32
      %dma_wait3A_230 = tpu.memref_slice %arg2[%dma_wait3A_228, %dma_wait3A_229] : memref<1000000x32xf32, #tpu.memory_space<hbm>> -> memref<1000000x32xf32, #tpu.memory_space<hbm>>
      tpu.wait_indirect_dma semaphore(%arg21 : memref<!tpu.dma_semaphore, #tpu.memory_space<semaphore_mem>>) src(%dma_wait3A_230 : memref<1000000x32xf32, #tpu.memory_space<hbm>>) dst(%arg11 : memref<256x32xf32, #tpu.memory_space<vmem>>)
      %dma_start3A_231 = arith.constant 0 : i32
      %dma_start3A_232 = arith.constant 0 : i32
      %dma_start3A_233 = tpu.memref_slice %arg4[%add3A, %add3A_224, %dma_start3A_231, %dma_start3A_232] : memref<32x100x256x32xf32, #tpu.memory_space<hbm>> -> memref<1x1x256x32xf32, #tpu.memory_space<hbm>>
      %dma_start3A_234 = tpu.memref_squeeze %dma_start3A_233 : memref<1x1x256x32xf32, #tpu.memory_space<hbm>> -> memref<256x32xf32, #tpu.memory_space<hbm>>
      %dma_start3A_235 = arith.constant 0 : i32
      %dma_start3A_236 = arith.constant 0 : i32
      %dma_start3A_237 = tpu.memref_slice %arg4[%add3A, %add3A_224, %dma_start3A_235, %dma_start3A_236] : memref<32x100x256x32xf32, #tpu.memory_space<hbm>> -> memref<1x1x256x32xf32, #tpu.memory_space<hbm>>
      %dma_start3A_238 = tpu.memref_squeeze %dma_start3A_237 : memref<1x1x256x32xf32, #tpu.memory_space<hbm>> -> memref<256x32xf32, #tpu.memory_space<hbm>>
      tpu.enqueue_dma source(%arg11 : memref<256x32xf32, #tpu.memory_space<vmem>>) target(%dma_start3A_238 : memref<256x32xf32, #tpu.memory_space<hbm>>) target_semaphore(%arg31 : memref<!tpu.dma_semaphore, #tpu.memory_space<semaphore_mem>>)
      %add3A_239 = arith.constant 5 : i32
      %add3A_240 = arith.addi %add3A_224, %add3A_239 : i32
      %lt3A = arith.constant 100 : i32
      %lt3A_241 = arith.cmpi slt, %add3A_240, %lt3A : i32
      %convert_element_type3A_242 = arith.extui %lt3A_241 : i1 to i32
      %cond3A_243 = arith.constant 0 : i32
      %cond3A_244 = arith.cmpi ne, %convert_element_type3A_242, %cond3A_243 : i32
      scf.if %cond3A_244 {
        %sub3A = arith.constant 5 : i32
        %sub3A_345 = arith.subi %add3A_224, %sub3A : i32
        %dma_wait3A_346 = arith.constant 0 : i32
        %dma_wait3A_347 = arith.constant 0 : i32
        %dma_wait3A_348 = tpu.memref_slice %arg4[%add3A, %sub3A_345, %dma_wait3A_346, %dma_wait3A_347] : memref<32x100x256x32xf32, #tpu.memory_space<hbm>> -> memref<1x1x256x32xf32, #tpu.memory_space<hbm>>
        %dma_wait3A_349 = tpu.memref_squeeze %dma_wait3A_348 : memref<1x1x256x32xf32, #tpu.memory_space<hbm>> -> memref<256x32xf32, #tpu.memory_space<hbm>>
        %dma_wait3A_350 = arith.constant 0 : i32
        %dma_wait3A_351 = arith.constant 0 : i32
        %dma_wait3A_352 = tpu.memref_slice %arg4[%add3A, %sub3A_345, %dma_wait3A_350, %dma_wait3A_351] : memref<32x100x256x32xf32, #tpu.memory_space<hbm>> -> memref<1x1x256x32xf32, #tpu.memory_space<hbm>>
        %dma_wait3A_353 = tpu.memref_squeeze %dma_wait3A_352 : memref<1x1x256x32xf32, #tpu.memory_space<hbm>> -> memref<256x32xf32, #tpu.memory_space<hbm>>
        tpu.wait_dma2 semaphore(%arg26 : memref<!tpu.dma_semaphore, #tpu.memory_space<semaphore_mem>>) src(%arg6 : memref<256x32xf32, #tpu.memory_space<vmem>>) dst(%dma_wait3A_353 : memref<256x32xf32, #tpu.memory_space<hbm>>)
        %add3A_354 = arith.constant 5 : i32
        %add3A_355 = arith.addi %add3A_224, %add3A_354 : i32
        %dma_start3A_356 = arith.constant 0 : i32
        %dma_start3A_357 = tpu.memref_slice %arg5[%add3A_355, %dma_start3A_356] : memref<100x256xi32, #tpu.memory_space<vmem>> -> memref<1x256xi32, #tpu.memory_space<vmem>>
        %dma_start3A_358 = tpu.memref_squeeze %dma_start3A_357 : memref<1x256xi32, #tpu.memory_space<vmem>> -> memref<256xi32, #tpu.memory_space<vmem>>
        %dma_start3A_359 = arith.constant 0 : i32
        %dma_start3A_360 = arith.constant 0 : i32
        %dma_start3A_361 = tpu.memref_slice %arg2[%dma_start3A_359, %dma_start3A_360] : memref<1000000x32xf32, #tpu.memory_space<hbm>> -> memref<1000000x32xf32, #tpu.memory_space<hbm>>
        tpu.enqueue_indirect_dma source(%dma_start3A_361 : memref<1000000x32xf32, #tpu.memory_space<hbm>>) target(%arg6 : memref<256x32xf32, #tpu.memory_space<vmem>>) offsets(%dma_start3A_358 : memref<256xi32, #tpu.memory_space<vmem>>) semaphore(%arg16 : memref<!tpu.dma_semaphore, #tpu.memory_space<semaphore_mem>>)
      } else {
      }
      %mul3A_245 = arith.constant 10 : i32
      %mul3A_246 = arith.muli %scan3A_84, %mul3A_245 : i32
      %add3A_247 = arith.constant 6 : i32
      %add3A_248 = arith.addi %mul3A_246, %add3A_247 : i32
      %dma_wait3A_249 = arith.constant 0 : i32
      %dma_wait3A_250 = tpu.memref_slice %arg5[%add3A_248, %dma_wait3A_249] : memref<100x256xi32, #tpu.memory_space<vmem>> -> memref<1x256xi32, #tpu.memory_space<vmem>>
      %dma_wait3A_251 = tpu.memref_squeeze %dma_wait3A_250 : memref<1x256xi32, #tpu.memory_space<vmem>> -> memref<256xi32, #tpu.memory_space<vmem>>
      %dma_wait3A_252 = arith.constant 0 : i32
      %dma_wait3A_253 = arith.constant 0 : i32
      %dma_wait3A_254 = tpu.memref_slice %arg2[%dma_wait3A_252, %dma_wait3A_253] : memref<1000000x32xf32, #tpu.memory_space<hbm>> -> memref<1000000x32xf32, #tpu.memory_space<hbm>>
      tpu.wait_indirect_dma semaphore(%arg22 : memref<!tpu.dma_semaphore, #tpu.memory_space<semaphore_mem>>) src(%dma_wait3A_254 : memref<1000000x32xf32, #tpu.memory_space<hbm>>) dst(%arg12 : memref<256x32xf32, #tpu.memory_space<vmem>>)
      %dma_start3A_255 = arith.constant 0 : i32
      %dma_start3A_256 = arith.constant 0 : i32
      %dma_start3A_257 = tpu.memref_slice %arg4[%add3A, %add3A_248, %dma_start3A_255, %dma_start3A_256] : memref<32x100x256x32xf32, #tpu.memory_space<hbm>> -> memref<1x1x256x32xf32, #tpu.memory_space<hbm>>
      %dma_start3A_258 = tpu.memref_squeeze %dma_start3A_257 : memref<1x1x256x32xf32, #tpu.memory_space<hbm>> -> memref<256x32xf32, #tpu.memory_space<hbm>>
      %dma_start3A_259 = arith.constant 0 : i32
      %dma_start3A_260 = arith.constant 0 : i32
      %dma_start3A_261 = tpu.memref_slice %arg4[%add3A, %add3A_248, %dma_start3A_259, %dma_start3A_260] : memref<32x100x256x32xf32, #tpu.memory_space<hbm>> -> memref<1x1x256x32xf32, #tpu.memory_space<hbm>>
      %dma_start3A_262 = tpu.memref_squeeze %dma_start3A_261 : memref<1x1x256x32xf32, #tpu.memory_space<hbm>> -> memref<256x32xf32, #tpu.memory_space<hbm>>
      tpu.enqueue_dma source(%arg12 : memref<256x32xf32, #tpu.memory_space<vmem>>) target(%dma_start3A_262 : memref<256x32xf32, #tpu.memory_space<hbm>>) target_semaphore(%arg32 : memref<!tpu.dma_semaphore, #tpu.memory_space<semaphore_mem>>)
      %add3A_263 = arith.constant 5 : i32
      %add3A_264 = arith.addi %add3A_248, %add3A_263 : i32
      %lt3A_265 = arith.constant 100 : i32
      %lt3A_266 = arith.cmpi slt, %add3A_264, %lt3A_265 : i32
      %convert_element_type3A_267 = arith.extui %lt3A_266 : i1 to i32
      %cond3A_268 = arith.constant 0 : i32
      %cond3A_269 = arith.cmpi ne, %convert_element_type3A_267, %cond3A_268 : i32
      scf.if %cond3A_269 {
        %sub3A = arith.constant 5 : i32
        %sub3A_345 = arith.subi %add3A_248, %sub3A : i32
        %dma_wait3A_346 = arith.constant 0 : i32
        %dma_wait3A_347 = arith.constant 0 : i32
        %dma_wait3A_348 = tpu.memref_slice %arg4[%add3A, %sub3A_345, %dma_wait3A_346, %dma_wait3A_347] : memref<32x100x256x32xf32, #tpu.memory_space<hbm>> -> memref<1x1x256x32xf32, #tpu.memory_space<hbm>>
        %dma_wait3A_349 = tpu.memref_squeeze %dma_wait3A_348 : memref<1x1x256x32xf32, #tpu.memory_space<hbm>> -> memref<256x32xf32, #tpu.memory_space<hbm>>
        %dma_wait3A_350 = arith.constant 0 : i32
        %dma_wait3A_351 = arith.constant 0 : i32
        %dma_wait3A_352 = tpu.memref_slice %arg4[%add3A, %sub3A_345, %dma_wait3A_350, %dma_wait3A_351] : memref<32x100x256x32xf32, #tpu.memory_space<hbm>> -> memref<1x1x256x32xf32, #tpu.memory_space<hbm>>
        %dma_wait3A_353 = tpu.memref_squeeze %dma_wait3A_352 : memref<1x1x256x32xf32, #tpu.memory_space<hbm>> -> memref<256x32xf32, #tpu.memory_space<hbm>>
        tpu.wait_dma2 semaphore(%arg27 : memref<!tpu.dma_semaphore, #tpu.memory_space<semaphore_mem>>) src(%arg7 : memref<256x32xf32, #tpu.memory_space<vmem>>) dst(%dma_wait3A_353 : memref<256x32xf32, #tpu.memory_space<hbm>>)
        %add3A_354 = arith.constant 5 : i32
        %add3A_355 = arith.addi %add3A_248, %add3A_354 : i32
        %dma_start3A_356 = arith.constant 0 : i32
        %dma_start3A_357 = tpu.memref_slice %arg5[%add3A_355, %dma_start3A_356] : memref<100x256xi32, #tpu.memory_space<vmem>> -> memref<1x256xi32, #tpu.memory_space<vmem>>
        %dma_start3A_358 = tpu.memref_squeeze %dma_start3A_357 : memref<1x256xi32, #tpu.memory_space<vmem>> -> memref<256xi32, #tpu.memory_space<vmem>>
        %dma_start3A_359 = arith.constant 0 : i32
        %dma_start3A_360 = arith.constant 0 : i32
        %dma_start3A_361 = tpu.memref_slice %arg2[%dma_start3A_359, %dma_start3A_360] : memref<1000000x32xf32, #tpu.memory_space<hbm>> -> memref<1000000x32xf32, #tpu.memory_space<hbm>>
        tpu.enqueue_indirect_dma source(%dma_start3A_361 : memref<1000000x32xf32, #tpu.memory_space<hbm>>) target(%arg7 : memref<256x32xf32, #tpu.memory_space<vmem>>) offsets(%dma_start3A_358 : memref<256xi32, #tpu.memory_space<vmem>>) semaphore(%arg17 : memref<!tpu.dma_semaphore, #tpu.memory_space<semaphore_mem>>)
      } else {
      }
      %mul3A_270 = arith.constant 10 : i32
      %mul3A_271 = arith.muli %scan3A_84, %mul3A_270 : i32
      %add3A_272 = arith.constant 7 : i32
      %add3A_273 = arith.addi %mul3A_271, %add3A_272 : i32
      %dma_wait3A_274 = arith.constant 0 : i32
      %dma_wait3A_275 = tpu.memref_slice %arg5[%add3A_273, %dma_wait3A_274] : memref<100x256xi32, #tpu.memory_space<vmem>> -> memref<1x256xi32, #tpu.memory_space<vmem>>
      %dma_wait3A_276 = tpu.memref_squeeze %dma_wait3A_275 : memref<1x256xi32, #tpu.memory_space<vmem>> -> memref<256xi32, #tpu.memory_space<vmem>>
      %dma_wait3A_277 = arith.constant 0 : i32
      %dma_wait3A_278 = arith.constant 0 : i32
      %dma_wait3A_279 = tpu.memref_slice %arg2[%dma_wait3A_277, %dma_wait3A_278] : memref<1000000x32xf32, #tpu.memory_space<hbm>> -> memref<1000000x32xf32, #tpu.memory_space<hbm>>
      tpu.wait_indirect_dma semaphore(%arg23 : memref<!tpu.dma_semaphore, #tpu.memory_space<semaphore_mem>>) src(%dma_wait3A_279 : memref<1000000x32xf32, #tpu.memory_space<hbm>>) dst(%arg13 : memref<256x32xf32, #tpu.memory_space<vmem>>)
      %dma_start3A_280 = arith.constant 0 : i32
      %dma_start3A_281 = arith.constant 0 : i32
      %dma_start3A_282 = tpu.memref_slice %arg4[%add3A, %add3A_273, %dma_start3A_280, %dma_start3A_281] : memref<32x100x256x32xf32, #tpu.memory_space<hbm>> -> memref<1x1x256x32xf32, #tpu.memory_space<hbm>>
      %dma_start3A_283 = tpu.memref_squeeze %dma_start3A_282 : memref<1x1x256x32xf32, #tpu.memory_space<hbm>> -> memref<256x32xf32, #tpu.memory_space<hbm>>
      %dma_start3A_284 = arith.constant 0 : i32
      %dma_start3A_285 = arith.constant 0 : i32
      %dma_start3A_286 = tpu.memref_slice %arg4[%add3A, %add3A_273, %dma_start3A_284, %dma_start3A_285] : memref<32x100x256x32xf32, #tpu.memory_space<hbm>> -> memref<1x1x256x32xf32, #tpu.memory_space<hbm>>
      %dma_start3A_287 = tpu.memref_squeeze %dma_start3A_286 : memref<1x1x256x32xf32, #tpu.memory_space<hbm>> -> memref<256x32xf32, #tpu.memory_space<hbm>>
      tpu.enqueue_dma source(%arg13 : memref<256x32xf32, #tpu.memory_space<vmem>>) target(%dma_start3A_287 : memref<256x32xf32, #tpu.memory_space<hbm>>) target_semaphore(%arg33 : memref<!tpu.dma_semaphore, #tpu.memory_space<semaphore_mem>>)
      %add3A_288 = arith.constant 5 : i32
      %add3A_289 = arith.addi %add3A_273, %add3A_288 : i32
      %lt3A_290 = arith.constant 100 : i32
      %lt3A_291 = arith.cmpi slt, %add3A_289, %lt3A_290 : i32
      %convert_element_type3A_292 = arith.extui %lt3A_291 : i1 to i32
      %cond3A_293 = arith.constant 0 : i32
      %cond3A_294 = arith.cmpi ne, %convert_element_type3A_292, %cond3A_293 : i32
      scf.if %cond3A_294 {
        %sub3A = arith.constant 5 : i32
        %sub3A_345 = arith.subi %add3A_273, %sub3A : i32
        %dma_wait3A_346 = arith.constant 0 : i32
        %dma_wait3A_347 = arith.constant 0 : i32
        %dma_wait3A_348 = tpu.memref_slice %arg4[%add3A, %sub3A_345, %dma_wait3A_346, %dma_wait3A_347] : memref<32x100x256x32xf32, #tpu.memory_space<hbm>> -> memref<1x1x256x32xf32, #tpu.memory_space<hbm>>
        %dma_wait3A_349 = tpu.memref_squeeze %dma_wait3A_348 : memref<1x1x256x32xf32, #tpu.memory_space<hbm>> -> memref<256x32xf32, #tpu.memory_space<hbm>>
        %dma_wait3A_350 = arith.constant 0 : i32
        %dma_wait3A_351 = arith.constant 0 : i32
        %dma_wait3A_352 = tpu.memref_slice %arg4[%add3A, %sub3A_345, %dma_wait3A_350, %dma_wait3A_351] : memref<32x100x256x32xf32, #tpu.memory_space<hbm>> -> memref<1x1x256x32xf32, #tpu.memory_space<hbm>>
        %dma_wait3A_353 = tpu.memref_squeeze %dma_wait3A_352 : memref<1x1x256x32xf32, #tpu.memory_space<hbm>> -> memref<256x32xf32, #tpu.memory_space<hbm>>
        tpu.wait_dma2 semaphore(%arg28 : memref<!tpu.dma_semaphore, #tpu.memory_space<semaphore_mem>>) src(%arg8 : memref<256x32xf32, #tpu.memory_space<vmem>>) dst(%dma_wait3A_353 : memref<256x32xf32, #tpu.memory_space<hbm>>)
        %add3A_354 = arith.constant 5 : i32
        %add3A_355 = arith.addi %add3A_273, %add3A_354 : i32
        %dma_start3A_356 = arith.constant 0 : i32
        %dma_start3A_357 = tpu.memref_slice %arg5[%add3A_355, %dma_start3A_356] : memref<100x256xi32, #tpu.memory_space<vmem>> -> memref<1x256xi32, #tpu.memory_space<vmem>>
        %dma_start3A_358 = tpu.memref_squeeze %dma_start3A_357 : memref<1x256xi32, #tpu.memory_space<vmem>> -> memref<256xi32, #tpu.memory_space<vmem>>
        %dma_start3A_359 = arith.constant 0 : i32
        %dma_start3A_360 = arith.constant 0 : i32
        %dma_start3A_361 = tpu.memref_slice %arg2[%dma_start3A_359, %dma_start3A_360] : memref<1000000x32xf32, #tpu.memory_space<hbm>> -> memref<1000000x32xf32, #tpu.memory_space<hbm>>
        tpu.enqueue_indirect_dma source(%dma_start3A_361 : memref<1000000x32xf32, #tpu.memory_space<hbm>>) target(%arg8 : memref<256x32xf32, #tpu.memory_space<vmem>>) offsets(%dma_start3A_358 : memref<256xi32, #tpu.memory_space<vmem>>) semaphore(%arg18 : memref<!tpu.dma_semaphore, #tpu.memory_space<semaphore_mem>>)
      } else {
      }
      %mul3A_295 = arith.constant 10 : i32
      %mul3A_296 = arith.muli %scan3A_84, %mul3A_295 : i32
      %add3A_297 = arith.constant 8 : i32
      %add3A_298 = arith.addi %mul3A_296, %add3A_297 : i32
      %dma_wait3A_299 = arith.constant 0 : i32
      %dma_wait3A_300 = tpu.memref_slice %arg5[%add3A_298, %dma_wait3A_299] : memref<100x256xi32, #tpu.memory_space<vmem>> -> memref<1x256xi32, #tpu.memory_space<vmem>>
      %dma_wait3A_301 = tpu.memref_squeeze %dma_wait3A_300 : memref<1x256xi32, #tpu.memory_space<vmem>> -> memref<256xi32, #tpu.memory_space<vmem>>
      %dma_wait3A_302 = arith.constant 0 : i32
      %dma_wait3A_303 = arith.constant 0 : i32
      %dma_wait3A_304 = tpu.memref_slice %arg2[%dma_wait3A_302, %dma_wait3A_303] : memref<1000000x32xf32, #tpu.memory_space<hbm>> -> memref<1000000x32xf32, #tpu.memory_space<hbm>>
      tpu.wait_indirect_dma semaphore(%arg24 : memref<!tpu.dma_semaphore, #tpu.memory_space<semaphore_mem>>) src(%dma_wait3A_304 : memref<1000000x32xf32, #tpu.memory_space<hbm>>) dst(%arg14 : memref<256x32xf32, #tpu.memory_space<vmem>>)
      %dma_start3A_305 = arith.constant 0 : i32
      %dma_start3A_306 = arith.constant 0 : i32
      %dma_start3A_307 = tpu.memref_slice %arg4[%add3A, %add3A_298, %dma_start3A_305, %dma_start3A_306] : memref<32x100x256x32xf32, #tpu.memory_space<hbm>> -> memref<1x1x256x32xf32, #tpu.memory_space<hbm>>
      %dma_start3A_308 = tpu.memref_squeeze %dma_start3A_307 : memref<1x1x256x32xf32, #tpu.memory_space<hbm>> -> memref<256x32xf32, #tpu.memory_space<hbm>>
      %dma_start3A_309 = arith.constant 0 : i32
      %dma_start3A_310 = arith.constant 0 : i32
      %dma_start3A_311 = tpu.memref_slice %arg4[%add3A, %add3A_298, %dma_start3A_309, %dma_start3A_310] : memref<32x100x256x32xf32, #tpu.memory_space<hbm>> -> memref<1x1x256x32xf32, #tpu.memory_space<hbm>>
      %dma_start3A_312 = tpu.memref_squeeze %dma_start3A_311 : memref<1x1x256x32xf32, #tpu.memory_space<hbm>> -> memref<256x32xf32, #tpu.memory_space<hbm>>
      tpu.enqueue_dma source(%arg14 : memref<256x32xf32, #tpu.memory_space<vmem>>) target(%dma_start3A_312 : memref<256x32xf32, #tpu.memory_space<hbm>>) target_semaphore(%arg34 : memref<!tpu.dma_semaphore, #tpu.memory_space<semaphore_mem>>)
      %add3A_313 = arith.constant 5 : i32
      %add3A_314 = arith.addi %add3A_298, %add3A_313 : i32
      %lt3A_315 = arith.constant 100 : i32
      %lt3A_316 = arith.cmpi slt, %add3A_314, %lt3A_315 : i32
      %convert_element_type3A_317 = arith.extui %lt3A_316 : i1 to i32
      %cond3A_318 = arith.constant 0 : i32
      %cond3A_319 = arith.cmpi ne, %convert_element_type3A_317, %cond3A_318 : i32
      scf.if %cond3A_319 {
        %sub3A = arith.constant 5 : i32
        %sub3A_345 = arith.subi %add3A_298, %sub3A : i32
        %dma_wait3A_346 = arith.constant 0 : i32
        %dma_wait3A_347 = arith.constant 0 : i32
        %dma_wait3A_348 = tpu.memref_slice %arg4[%add3A, %sub3A_345, %dma_wait3A_346, %dma_wait3A_347] : memref<32x100x256x32xf32, #tpu.memory_space<hbm>> -> memref<1x1x256x32xf32, #tpu.memory_space<hbm>>
        %dma_wait3A_349 = tpu.memref_squeeze %dma_wait3A_348 : memref<1x1x256x32xf32, #tpu.memory_space<hbm>> -> memref<256x32xf32, #tpu.memory_space<hbm>>
        %dma_wait3A_350 = arith.constant 0 : i32
        %dma_wait3A_351 = arith.constant 0 : i32
        %dma_wait3A_352 = tpu.memref_slice %arg4[%add3A, %sub3A_345, %dma_wait3A_350, %dma_wait3A_351] : memref<32x100x256x32xf32, #tpu.memory_space<hbm>> -> memref<1x1x256x32xf32, #tpu.memory_space<hbm>>
        %dma_wait3A_353 = tpu.memref_squeeze %dma_wait3A_352 : memref<1x1x256x32xf32, #tpu.memory_space<hbm>> -> memref<256x32xf32, #tpu.memory_space<hbm>>
        tpu.wait_dma2 semaphore(%arg29 : memref<!tpu.dma_semaphore, #tpu.memory_space<semaphore_mem>>) src(%arg9 : memref<256x32xf32, #tpu.memory_space<vmem>>) dst(%dma_wait3A_353 : memref<256x32xf32, #tpu.memory_space<hbm>>)
        %add3A_354 = arith.constant 5 : i32
        %add3A_355 = arith.addi %add3A_298, %add3A_354 : i32
        %dma_start3A_356 = arith.constant 0 : i32
        %dma_start3A_357 = tpu.memref_slice %arg5[%add3A_355, %dma_start3A_356] : memref<100x256xi32, #tpu.memory_space<vmem>> -> memref<1x256xi32, #tpu.memory_space<vmem>>
        %dma_start3A_358 = tpu.memref_squeeze %dma_start3A_357 : memref<1x256xi32, #tpu.memory_space<vmem>> -> memref<256xi32, #tpu.memory_space<vmem>>
        %dma_start3A_359 = arith.constant 0 : i32
        %dma_start3A_360 = arith.constant 0 : i32
        %dma_start3A_361 = tpu.memref_slice %arg2[%dma_start3A_359, %dma_start3A_360] : memref<1000000x32xf32, #tpu.memory_space<hbm>> -> memref<1000000x32xf32, #tpu.memory_space<hbm>>
        tpu.enqueue_indirect_dma source(%dma_start3A_361 : memref<1000000x32xf32, #tpu.memory_space<hbm>>) target(%arg9 : memref<256x32xf32, #tpu.memory_space<vmem>>) offsets(%dma_start3A_358 : memref<256xi32, #tpu.memory_space<vmem>>) semaphore(%arg19 : memref<!tpu.dma_semaphore, #tpu.memory_space<semaphore_mem>>)
      } else {
      }
      %mul3A_320 = arith.constant 10 : i32
      %mul3A_321 = arith.muli %scan3A_84, %mul3A_320 : i32
      %add3A_322 = arith.constant 9 : i32
      %add3A_323 = arith.addi %mul3A_321, %add3A_322 : i32
      %dma_wait3A_324 = arith.constant 0 : i32
      %dma_wait3A_325 = tpu.memref_slice %arg5[%add3A_323, %dma_wait3A_324] : memref<100x256xi32, #tpu.memory_space<vmem>> -> memref<1x256xi32, #tpu.memory_space<vmem>>
      %dma_wait3A_326 = tpu.memref_squeeze %dma_wait3A_325 : memref<1x256xi32, #tpu.memory_space<vmem>> -> memref<256xi32, #tpu.memory_space<vmem>>
      %dma_wait3A_327 = arith.constant 0 : i32
      %dma_wait3A_328 = arith.constant 0 : i32
      %dma_wait3A_329 = tpu.memref_slice %arg2[%dma_wait3A_327, %dma_wait3A_328] : memref<1000000x32xf32, #tpu.memory_space<hbm>> -> memref<1000000x32xf32, #tpu.memory_space<hbm>>
      tpu.wait_indirect_dma semaphore(%arg25 : memref<!tpu.dma_semaphore, #tpu.memory_space<semaphore_mem>>) src(%dma_wait3A_329 : memref<1000000x32xf32, #tpu.memory_space<hbm>>) dst(%arg15 : memref<256x32xf32, #tpu.memory_space<vmem>>)
      %dma_start3A_330 = arith.constant 0 : i32
      %dma_start3A_331 = arith.constant 0 : i32
      %dma_start3A_332 = tpu.memref_slice %arg4[%add3A, %add3A_323, %dma_start3A_330, %dma_start3A_331] : memref<32x100x256x32xf32, #tpu.memory_space<hbm>> -> memref<1x1x256x32xf32, #tpu.memory_space<hbm>>
      %dma_start3A_333 = tpu.memref_squeeze %dma_start3A_332 : memref<1x1x256x32xf32, #tpu.memory_space<hbm>> -> memref<256x32xf32, #tpu.memory_space<hbm>>
      %dma_start3A_334 = arith.constant 0 : i32
      %dma_start3A_335 = arith.constant 0 : i32
      %dma_start3A_336 = tpu.memref_slice %arg4[%add3A, %add3A_323, %dma_start3A_334, %dma_start3A_335] : memref<32x100x256x32xf32, #tpu.memory_space<hbm>> -> memref<1x1x256x32xf32, #tpu.memory_space<hbm>>
      %dma_start3A_337 = tpu.memref_squeeze %dma_start3A_336 : memref<1x1x256x32xf32, #tpu.memory_space<hbm>> -> memref<256x32xf32, #tpu.memory_space<hbm>>
      tpu.enqueue_dma source(%arg15 : memref<256x32xf32, #tpu.memory_space<vmem>>) target(%dma_start3A_337 : memref<256x32xf32, #tpu.memory_space<hbm>>) target_semaphore(%arg35 : memref<!tpu.dma_semaphore, #tpu.memory_space<semaphore_mem>>)
      %add3A_338 = arith.constant 5 : i32
      %add3A_339 = arith.addi %add3A_323, %add3A_338 : i32
      %lt3A_340 = arith.constant 100 : i32
      %lt3A_341 = arith.cmpi slt, %add3A_339, %lt3A_340 : i32
      %convert_element_type3A_342 = arith.extui %lt3A_341 : i1 to i32
      %cond3A_343 = arith.constant 0 : i32
      %cond3A_344 = arith.cmpi ne, %convert_element_type3A_342, %cond3A_343 : i32
      scf.if %cond3A_344 {
        %sub3A = arith.constant 5 : i32
        %sub3A_345 = arith.subi %add3A_323, %sub3A : i32
        %dma_wait3A_346 = arith.constant 0 : i32
        %dma_wait3A_347 = arith.constant 0 : i32
        %dma_wait3A_348 = tpu.memref_slice %arg4[%add3A, %sub3A_345, %dma_wait3A_346, %dma_wait3A_347] : memref<32x100x256x32xf32, #tpu.memory_space<hbm>> -> memref<1x1x256x32xf32, #tpu.memory_space<hbm>>
        %dma_wait3A_349 = tpu.memref_squeeze %dma_wait3A_348 : memref<1x1x256x32xf32, #tpu.memory_space<hbm>> -> memref<256x32xf32, #tpu.memory_space<hbm>>
        %dma_wait3A_350 = arith.constant 0 : i32
        %dma_wait3A_351 = arith.constant 0 : i32
        %dma_wait3A_352 = tpu.memref_slice %arg4[%add3A, %sub3A_345, %dma_wait3A_350, %dma_wait3A_351] : memref<32x100x256x32xf32, #tpu.memory_space<hbm>> -> memref<1x1x256x32xf32, #tpu.memory_space<hbm>>
        %dma_wait3A_353 = tpu.memref_squeeze %dma_wait3A_352 : memref<1x1x256x32xf32, #tpu.memory_space<hbm>> -> memref<256x32xf32, #tpu.memory_space<hbm>>
        tpu.wait_dma2 semaphore(%arg30 : memref<!tpu.dma_semaphore, #tpu.memory_space<semaphore_mem>>) src(%arg10 : memref<256x32xf32, #tpu.memory_space<vmem>>) dst(%dma_wait3A_353 : memref<256x32xf32, #tpu.memory_space<hbm>>)
        %add3A_354 = arith.constant 5 : i32
        %add3A_355 = arith.addi %add3A_323, %add3A_354 : i32
        %dma_start3A_356 = arith.constant 0 : i32
        %dma_start3A_357 = tpu.memref_slice %arg5[%add3A_355, %dma_start3A_356] : memref<100x256xi32, #tpu.memory_space<vmem>> -> memref<1x256xi32, #tpu.memory_space<vmem>>
        %dma_start3A_358 = tpu.memref_squeeze %dma_start3A_357 : memref<1x256xi32, #tpu.memory_space<vmem>> -> memref<256xi32, #tpu.memory_space<vmem>>
        %dma_start3A_359 = arith.constant 0 : i32
        %dma_start3A_360 = arith.constant 0 : i32
        %dma_start3A_361 = tpu.memref_slice %arg2[%dma_start3A_359, %dma_start3A_360] : memref<1000000x32xf32, #tpu.memory_space<hbm>> -> memref<1000000x32xf32, #tpu.memory_space<hbm>>
        tpu.enqueue_indirect_dma source(%dma_start3A_361 : memref<1000000x32xf32, #tpu.memory_space<hbm>>) target(%arg10 : memref<256x32xf32, #tpu.memory_space<vmem>>) offsets(%dma_start3A_358 : memref<256xi32, #tpu.memory_space<vmem>>) semaphore(%arg20 : memref<!tpu.dma_semaphore, #tpu.memory_space<semaphore_mem>>)
      } else {
      }
    }
    %scan3A_39 = arith.constant 10 : i32
    %dma_wait3A = arith.constant 95 : i32
    %dma_wait3A_40 = arith.constant 0 : i32
    %dma_wait3A_41 = arith.constant 0 : i32
    %dma_wait3A_42 = tpu.memref_slice %arg4[%add3A, %dma_wait3A, %dma_wait3A_40, %dma_wait3A_41] : memref<32x100x256x32xf32, #tpu.memory_space<hbm>> -> memref<1x1x256x32xf32, #tpu.memory_space<hbm>>
    %dma_wait3A_43 = tpu.memref_squeeze %dma_wait3A_42 : memref<1x1x256x32xf32, #tpu.memory_space<hbm>> -> memref<256x32xf32, #tpu.memory_space<hbm>>
    %dma_wait3A_44 = arith.constant 0 : i32
    %dma_wait3A_45 = arith.constant 0 : i32
    %dma_wait3A_46 = tpu.memref_slice %arg4[%add3A, %dma_wait3A, %dma_wait3A_44, %dma_wait3A_45] : memref<32x100x256x32xf32, #tpu.memory_space<hbm>> -> memref<1x1x256x32xf32, #tpu.memory_space<hbm>>
    %dma_wait3A_47 = tpu.memref_squeeze %dma_wait3A_46 : memref<1x1x256x32xf32, #tpu.memory_space<hbm>> -> memref<256x32xf32, #tpu.memory_space<hbm>>
    tpu.wait_dma2 semaphore(%arg31 : memref<!tpu.dma_semaphore, #tpu.memory_space<semaphore_mem>>) src(%arg11 : memref<256x32xf32, #tpu.memory_space<vmem>>) dst(%dma_wait3A_47 : memref<256x32xf32, #tpu.memory_space<hbm>>)
    %dma_wait3A_48 = arith.constant 96 : i32
    %dma_wait3A_49 = arith.constant 0 : i32
    %dma_wait3A_50 = arith.constant 0 : i32
    %dma_wait3A_51 = tpu.memref_slice %arg4[%add3A, %dma_wait3A_48, %dma_wait3A_49, %dma_wait3A_50] : memref<32x100x256x32xf32, #tpu.memory_space<hbm>> -> memref<1x1x256x32xf32, #tpu.memory_space<hbm>>
    %dma_wait3A_52 = tpu.memref_squeeze %dma_wait3A_51 : memref<1x1x256x32xf32, #tpu.memory_space<hbm>> -> memref<256x32xf32, #tpu.memory_space<hbm>>
    %dma_wait3A_53 = arith.constant 0 : i32
    %dma_wait3A_54 = arith.constant 0 : i32
    %dma_wait3A_55 = tpu.memref_slice %arg4[%add3A, %dma_wait3A_48, %dma_wait3A_53, %dma_wait3A_54] : memref<32x100x256x32xf32, #tpu.memory_space<hbm>> -> memref<1x1x256x32xf32, #tpu.memory_space<hbm>>
    %dma_wait3A_56 = tpu.memref_squeeze %dma_wait3A_55 : memref<1x1x256x32xf32, #tpu.memory_space<hbm>> -> memref<256x32xf32, #tpu.memory_space<hbm>>
    tpu.wait_dma2 semaphore(%arg32 : memref<!tpu.dma_semaphore, #tpu.memory_space<semaphore_mem>>) src(%arg12 : memref<256x32xf32, #tpu.memory_space<vmem>>) dst(%dma_wait3A_56 : memref<256x32xf32, #tpu.memory_space<hbm>>)
    %dma_wait3A_57 = arith.constant 97 : i32
    %dma_wait3A_58 = arith.constant 0 : i32
    %dma_wait3A_59 = arith.constant 0 : i32
    %dma_wait3A_60 = tpu.memref_slice %arg4[%add3A, %dma_wait3A_57, %dma_wait3A_58, %dma_wait3A_59] : memref<32x100x256x32xf32, #tpu.memory_space<hbm>> -> memref<1x1x256x32xf32, #tpu.memory_space<hbm>>
    %dma_wait3A_61 = tpu.memref_squeeze %dma_wait3A_60 : memref<1x1x256x32xf32, #tpu.memory_space<hbm>> -> memref<256x32xf32, #tpu.memory_space<hbm>>
    %dma_wait3A_62 = arith.constant 0 : i32
    %dma_wait3A_63 = arith.constant 0 : i32
    %dma_wait3A_64 = tpu.memref_slice %arg4[%add3A, %dma_wait3A_57, %dma_wait3A_62, %dma_wait3A_63] : memref<32x100x256x32xf32, #tpu.memory_space<hbm>> -> memref<1x1x256x32xf32, #tpu.memory_space<hbm>>
    %dma_wait3A_65 = tpu.memref_squeeze %dma_wait3A_64 : memref<1x1x256x32xf32, #tpu.memory_space<hbm>> -> memref<256x32xf32, #tpu.memory_space<hbm>>
    tpu.wait_dma2 semaphore(%arg33 : memref<!tpu.dma_semaphore, #tpu.memory_space<semaphore_mem>>) src(%arg13 : memref<256x32xf32, #tpu.memory_space<vmem>>) dst(%dma_wait3A_65 : memref<256x32xf32, #tpu.memory_space<hbm>>)
    %dma_wait3A_66 = arith.constant 98 : i32
    %dma_wait3A_67 = arith.constant 0 : i32
    %dma_wait3A_68 = arith.constant 0 : i32
    %dma_wait3A_69 = tpu.memref_slice %arg4[%add3A, %dma_wait3A_66, %dma_wait3A_67, %dma_wait3A_68] : memref<32x100x256x32xf32, #tpu.memory_space<hbm>> -> memref<1x1x256x32xf32, #tpu.memory_space<hbm>>
    %dma_wait3A_70 = tpu.memref_squeeze %dma_wait3A_69 : memref<1x1x256x32xf32, #tpu.memory_space<hbm>> -> memref<256x32xf32, #tpu.memory_space<hbm>>
    %dma_wait3A_71 = arith.constant 0 : i32
    %dma_wait3A_72 = arith.constant 0 : i32
    %dma_wait3A_73 = tpu.memref_slice %arg4[%add3A, %dma_wait3A_66, %dma_wait3A_71, %dma_wait3A_72] : memref<32x100x256x32xf32, #tpu.memory_space<hbm>> -> memref<1x1x256x32xf32, #tpu.memory_space<hbm>>
    %dma_wait3A_74 = tpu.memref_squeeze %dma_wait3A_73 : memref<1x1x256x32xf32, #tpu.memory_space<hbm>> -> memref<256x32xf32, #tpu.memory_space<hbm>>
    tpu.wait_dma2 semaphore(%arg34 : memref<!tpu.dma_semaphore, #tpu.memory_space<semaphore_mem>>) src(%arg14 : memref<256x32xf32, #tpu.memory_space<vmem>>) dst(%dma_wait3A_74 : memref<256x32xf32, #tpu.memory_space<hbm>>)
    %dma_wait3A_75 = arith.constant 99 : i32
    %dma_wait3A_76 = arith.constant 0 : i32
    %dma_wait3A_77 = arith.constant 0 : i32
    %dma_wait3A_78 = tpu.memref_slice %arg4[%add3A, %dma_wait3A_75, %dma_wait3A_76, %dma_wait3A_77] : memref<32x100x256x32xf32, #tpu.memory_space<hbm>> -> memref<1x1x256x32xf32, #tpu.memory_space<hbm>>
    %dma_wait3A_79 = tpu.memref_squeeze %dma_wait3A_78 : memref<1x1x256x32xf32, #tpu.memory_space<hbm>> -> memref<256x32xf32, #tpu.memory_space<hbm>>
    %dma_wait3A_80 = arith.constant 0 : i32
    %dma_wait3A_81 = arith.constant 0 : i32
    %dma_wait3A_82 = tpu.memref_slice %arg4[%add3A, %dma_wait3A_75, %dma_wait3A_80, %dma_wait3A_81] : memref<32x100x256x32xf32, #tpu.memory_space<hbm>> -> memref<1x1x256x32xf32, #tpu.memory_space<hbm>>
    %dma_wait3A_83 = tpu.memref_squeeze %dma_wait3A_82 : memref<1x1x256x32xf32, #tpu.memory_space<hbm>> -> memref<256x32xf32, #tpu.memory_space<hbm>>
    tpu.wait_dma2 semaphore(%arg35 : memref<!tpu.dma_semaphore, #tpu.memory_space<semaphore_mem>>) src(%arg15 : memref<256x32xf32, #tpu.memory_space<vmem>>) dst(%dma_wait3A_83 : memref<256x32xf32, #tpu.memory_space<hbm>>)
    return
  }
}

</mosaic_0001>

<sc_bundles>
// kernel: kernel.3.cloned.1.call-start
scs
__scs_entry_jumppad:
0x0: {  	(pc) =	sbr.rel $0x88, $3  }
0x1: {  	(tag) =	ssettag $0x0;
	lr =	simm.s32 $0x1  }
0x2: {  	[smem:$0x3F9F] =	sst lr;
	_ =	strace $0xD0000000  }
0x3: {  	_ = 	snop  }
0x4: {  	_ = 	snop  }
0x5: {  	_ = 	snop  }
0x6: {  	_ = 	snop  }
0x7: {  	_ = 	snop  }
__scs_overlays_trampoline_lowered:
0x8: {  	[smem:$0x3FAE] =	sst s0  }
0x9: {  	[smem:$0x3FAF] =	sst s1  }
0xa: {  	[smem:$0x3FB0] =	sst s2  }
0xb: {  	[smem:$0x3FB1] =	sst s3  }
0xc: {  	[smem:$0x3FB2] =	sst s4  }
0xd: {  	[smem:$0x3FB3] =	sst s5  }
0xe: {  	[smem:$0x3FB4] =	sst s6  }
0xf: {  	[smem:$0x3FB5] =	sst s7  }
0x10: {  	[smem:$0x3FB6] =	sst s8  }
0x11: {  	[smem:$0x3FB7] =	sst s9;
	s0 =	simm.s32 @!p0 $0x0  }
0x12: {  	s1 =	sld [smem:$0x3F9D];
	s0 =	simm.s32 @p0 $0x1  }
0x13: {  	[smem:$0x3FB8] =	sst s0;
	s0 =	simm.s32 @!p1 $0x0  }
0x14: {  	s2 =	sld [smem:$0x3F9C];
	s0 =	simm.s32 @p1 $0x1  }
0x15: {  	[smem:$0x3FB9] =	sst s0;
	s0 =	simm.s32 @!p2 $0x0  }
0x16: {  	s3 =	sld [smem:$0x3FDB];
	s0 =	simm.s32 @p2 $0x1  }
0x17: {  	s4 =	simm.s32 $0x1BF5;
	[smem:$0x3FBB] =	sst s0  }
0x18: {  	s0 =	sld [smem:$0x3F9E];
	_ =	swait.ge [sflag:s4], $0x0  }
0x19: {  	s7 =	sld [smem:$0x3F9F]  }
0x1a: {  	s8 =	sadd.s32 $0xFFFFE003, lr  }
0x1b: {  	s9 =	sadd.s32 $0xFFFFFEF7, lr;
	s5 =	simm.s32 $0xFFFFFFFF;
	p2 =	slt.u32 s8, $0xFFFFF086  }
0x1c: {  	p1 =	slt.u32 s9, $0xF7A;
	s5 =	simm.s32 @!p2 $0x0  }
0x1d: {  	s5 =	simm.s32 @p1 $0x1;
	p0 =	seq.s32 s7, s2  }
0x1e: {  	s7 =	smul.u32 @!p0 $0xF7A, s2;
	p2 =	seq.s32 @!p0 s5, $0x0  }
0x1f: {  	s9 =	smul.u32 $0xF7A, s1;
	s8 =	simm.s32 @!p0 $0x1BF5;
	p2 =	por !p2, p0  }
0x20: {  	[sflag:s8] =	ssyncset.s32 @!p0 $0xFFFFF086;
	s6 =	sadd.s32 @!p0 s3, s7;
	s7 =	simm.s32 @!p0 $0x108  }
0x21: {  	s3 =	sadd.s32 s3, s9;
	s6 =	sadd.s32 @!p0 $0x88, s6;
	s7 =	simm.s32 @p2 $0x1082  }
0x22: {  	[simem:s7], [sflag:s8] =	dma.local @!p0 [hbm:s6], $0xF7A  }
0x23: {  	s9 =	sor.u32 $0xD0000000, s2;
	s6 =	simm.s32 $0x108;
	_ =	swait.ge @!p0 [sflag:s8], $0x0  }
0x24: {  	s3 =	sadd.s32 $0x88, s3;
	s6 =	simm.s32 @!p1 $0x1082;
	[sflag:s4] =	ssyncset.s32 $0xFFFFF086  }
0x25: {  	[simem:s6], [sflag:s4] =	dma.local [hbm:s3], $0xF7A  }
0x26: {  	[smem:$0x3F9F] =	sst s1;
	(tag) =	ssettag s2;
	_ =	strace s9  }
0x27: {  	s1 =	sld [smem:$0x3FAF]  }
0x28: {  	s2 =	sld [smem:$0x3FB0]  }
0x29: {  	s4 =	sld [smem:$0x3FB2]  }
0x2a: {  	p0 =	seq.s32 s5, $0x0;
	s5 =	sld [smem:$0x3FB3]  }
0x2b: {  	s6 =	sld [smem:$0x3FB4]  }
0x2c: {  	s7 =	sld [smem:$0x3FB5]  }
0x2d: {  	s3 =	simm.s32 $0x108;
	s8 =	sld [smem:$0x3FB6]  }
0x2e: {  	s3 =	simm.s32 @!p0 $0x1082;
	s9 =	sld [smem:$0x3FB7]  }
0x2f: {  	lr =	sadd.s32 s0, s3;
	s0 =	sld [smem:$0x3FAE]  }
0x30: {  	s3 =	sld [smem:$0x3FB1]  }
0x31: {  	[smem:$0x3FBA] =	sst s10  }
0x32: {  	s10 =	sld [smem:$0x3FB8];
	_ =	sdelay $0x3  }
0x33: {  	p0 =	seq.s32 s10, $0x1;
	s10 =	sld [smem:$0x3FBA];
	_ =	sdelay $0x3  }
0x34: {  	[smem:$0x3FBA] =	sst s10  }
0x35: {  	s10 =	sld [smem:$0x3FB9];
	_ =	sdelay $0x3  }
0x36: {  	p1 =	seq.s32 s10, $0x1;
	s10 =	sld [smem:$0x3FBA];
	_ =	sdelay $0x3  }
0x37: {  	[smem:$0x3FBA] =	sst s10  }
0x38: {  	s10 =	sld [smem:$0x3FBB]  }
0x39: {  	_ = 	snop;
	(pc) =	sbr.ind lr, $3  }
0x3a: {  	_ = 	snop  }
0x3b: {  	_ = 	snop  }
0x3c: {  	p2 =	seq.s32 s10, $0x1;
	s10 =	sld [smem:$0x3FBA]  }
0x3d: {  	_ =	shalt  }
0x3e: {  	_ =	shalt  }
0x3f: {  	_ =	shalt  }
0x40: {  	_ =	shalt  }
0x41: {  	_ =	shalt  }
0x42: {  	_ =	shalt  }
0x43: {  	_ =	shalt  }
0x44: {  	_ =	shalt  }
0x45: {  	_ =	shalt  }
0x46: {  	_ =	shalt  }
0x47: {  	_ =	shalt  }
0x48: {  	_ =	shalt  }
0x49: {  	_ =	shalt  }
0x4a: {  	_ =	shalt  }
0x4b: {  	_ =	shalt  }
0x4c: {  	_ =	shalt  }
0x4d: {  	_ =	shalt  }
0x4e: {  	_ =	shalt  }
0x4f: {  	_ =	shalt  }
0x50: {  	_ =	shalt  }
0x51: {  	_ =	shalt  }
0x52: {  	_ =	shalt  }
0x53: {  	_ =	shalt  }
0x54: {  	_ =	shalt  }
0x55: {  	_ =	shalt  }
0x56: {  	_ =	shalt  }
0x57: {  	_ =	shalt  }
0x58: {  	_ =	shalt  }
0x59: {  	_ =	shalt  }
0x5a: {  	_ =	shalt  }
0x5b: {  	_ =	shalt  }
0x5c: {  	_ =	shalt  }
0x5d: {  	_ =	shalt  }
0x5e: {  	_ =	shalt  }
0x5f: {  	_ =	shalt  }
0x60: {  	_ =	shalt  }
0x61: {  	_ =	shalt  }
0x62: {  	_ =	shalt  }
0x63: {  	_ =	shalt  }
0x64: {  	_ =	shalt  }
0x65: {  	_ =	shalt  }
0x66: {  	_ =	shalt  }
0x67: {  	_ =	shalt  }
0x68: {  	_ =	shalt  }
0x69: {  	_ =	shalt  }
0x6a: {  	_ =	shalt  }
0x6b: {  	_ =	shalt  }
0x6c: {  	_ =	shalt  }
0x6d: {  	_ =	shalt  }
0x6e: {  	_ =	shalt  }
0x6f: {  	_ =	shalt  }
0x70: {  	_ =	shalt  }
0x71: {  	_ =	shalt  }
0x72: {  	_ =	shalt  }
0x73: {  	_ =	shalt  }
0x74: {  	_ =	shalt  }
0x75: {  	_ =	shalt  }
0x76: {  	_ =	shalt  }
0x77: {  	_ =	shalt  }
0x78: {  	_ =	shalt  }
0x79: {  	_ =	shalt  }
0x7a: {  	_ =	shalt  }
0x7b: {  	_ =	shalt  }
0x7c: {  	_ =	shalt  }
0x7d: {  	_ =	shalt  }
0x7e: {  	_ =	shalt  }
0x7f: {  	_ =	shalt  }
0x80: {  	_ =	shalt  }
0x81: {  	_ =	shalt  }
0x82: {  	_ =	shalt  }
0x83: {  	_ =	shalt  }
0x84: {  	_ =	shalt  }
0x85: {  	_ =	shalt  }
0x86: {  	_ =	shalt  }
0x87: {  	_ =	shalt  }
.Lfunc_end0:
.L_simem_size_0:
called_computation.1_lowered:
.L_overlay_start_0:
0x88: {  	s2 =	sld [smem:$0x3FD9]  }
0x89: {  	s3 =	sld [smem:$0x3FFE];
	_ =	sdelay $0x1  }
0x8a: {  	s1 =	srdreg.scid  }
0x8b: {  	s0 =	sand.u32 $0x1, s1  }
0x8c: {  	s17 =	sshll.u32 s0, $0xA;
	s2 =	sadd.s32 s3, s2  }
0x8d: {  	s2 =	sadd.s32 s2, s17  }
0x8e: {  	[smem:$0x3FC6] =	sst s2  }
0x8f: {  	_ = 	snop  }
0x90: {  	s2 =	sld [smem:$0x3FD0];
	(tm) =	ssettm $0x1  }
0x91: {  	s18 =	sld [smem:$0x3FFB];
	_ =	sdelay $0x3  }
0x92: {  	_ =	strace s18  }
0x93: {  	s3 =	sld [smem:$0x3FFC];
	_ =	sdelay $0x3  }
0x94: {  	_ =	strace s3  }
0x95: {  	s3 =	sld [smem:$0x3FFD];
	_ =	sdelay $0x3  }
0x96: {  	_ =	strace s3  }
0x97: {  	_ =	strace $0x8FFFFFFF  }
0x98: {  	s19 =	sld [smem:$0x3FDB];
	_ =	sdelay $0x1  }
0x99: {  	s4 =	simm.s32 $_scs_section_size  }
0x9a: {  	s5 =	simm.s32 $_size__tile_overlayer_lowered;
	s6 =	simm.s32 $_tile_overlayer_lowered  }
0x9b: {  	s22 =	simm.s32 $0x1BFF;
	s21 =	sshll.u32 s6, $0x1;
	s3 =	sadd.s32 s4, s19  }
0x9c: {  	s7 =	simm.s32 $0x0;
	s20 =	sshll.u32 s5, $0x1;
	s5 =	sadd.s32 s21, s3  }
0x9d: {  	[timem:s7], [sflag:s22] =	dma.local [hbm:s5], s20  }
0x9e: {  	_ =	swait.ge [sflag:s22], s20  }
0x9f: {  	s4 =	ssub.s32 $0x0, s20;
	[sflag:s22] =	ssyncset.done $0x0  }
0xa0: {  	[sflag:s22] =	ssyncadd.s32 s4;
	_ =	sdelay $0x1  }
0xa1: {  	s23 =	simm.s32 $0x1B8B  }
0xa2: {  	_ =	swait.ge [sflag:s23], $0x1  }
0xa3: {  	[sflag:s23] =	ssyncset.done $0x0  }
0xa4: {  	s25 =	simm.s32 $0x1B8E;
	s24 =	sld [smem:$0x3FFE];
	[sflag:s23] =	ssyncadd.s32 $0xFFFFFFFF  }
0xa5: {  	s26 =	simm.s32 $execute0_lowered;
	[smem:$0x3FD2] =	sst s25  }
0xa6: {  	s5 =	sshll.u32 s26, $0x1;
	_ =	strace $0x80000046;
	[dreg:$0x1] =	wrdreg $0xFFFFFFFF  }
0xa7: {  	s28 =	simm.s32 $_size_execute0_lowered;
	s3 =	sadd.s32 s3, s5;
	[dreg:$0x0] =	wrdreg $0x0  }
0xa8: {  	s5 =	sshll.u32 s28, $0x1;
	[dreg:$0x2] =	wrdreg s3  }
0xa9: {  	[dreg:$0x3] =	wrdreg s5  }
0xaa: {  	[dreg:$0x4] =	wrdreg $0xC0  }
0xab: {  	_ =	task [dreg:s7], $0x5FFFF  }
0xac: {  	[dreg:$0x1] =	wrdreg $0xFFFFFFFF  }
0xad: {  	[dreg:$0x0] =	wrdreg $0x60  }
0xae: {  	[dreg:$0x2] =	wrdreg s24  }
0xaf: {  	[dreg:$0x3] =	wrdreg s2  }
0xb0: {  	[dreg:$0x4] =	wrdreg $0x9  }
0xb1: {  	_ =	task.clear_ibuf [dreg:s7], $0x5FFFF;
	_ =	strace $0x90000046  }
0xb2: {  	s29 =	simm.s32 $0x9;
	_ =	strace $0x80000048  }
0xb3: {  	_ =	swait.ge [sflag:s29], $0x1  }
0xb4: {  	[sflag:s29] =	ssyncadd.s32 $0xFFFFFFFF  }
0xb5: {  	_ =	strace $0x90000048  }
0xb6: {  	_ =	sfence  }
0xb7: {  	s30 =	sld [smem:$0x0];
	_ =	sdelay $0x2  }
0xb8: {  	s31 =	sshll.u32 s1, $0xD;
	s1 =	sshrl.u32 s1, $0x2  }
0xb9: {  	s3 =	sand.u32 $0x4000, s31;
	s1 =	sadd.s32 s1, s30  }
0xba: {  	s0 =	sor.u32 s3, s0;
	s1 =	sshll.u32 s1, $0x11  }
0xbb: {  	s0 =	sor.u32 s1, s0  }
0xbc: {  	s0 =	sadd.s32 $0x8F2B, s0  }
0xbd: {  	[sflag:s0] =	ssyncadd.remote.s32 $0x1  }
0xbe: {  	_ =	sfence.sel $0xFFFF  }
0xbf: {  	[dreg:$0x0] =	wrdreg $0xFFFFFFFF;
	(pc) =	sbr.abs _section_cstart, $3  }
0xc0: {  	[dreg:$0x1] =	wrdreg $0xFFFFFFFF  }
0xc1: {  	_ =	task.clear_ibuf [dreg:s7], $0x2FFFF;
	_ =	strace $0x9FFFFFFF  }
0xc2: {  	(tm) =	ssettm $0x7FFFFFFF  }
0xc3: {  	_ =	shalt  }
tec
execute0_lowered:
.L_overlay_start_1:
0x0: {  	(tag) =	ssettag $0x1  }
0x1: {  	s0 =	rddreg [dreg:$0x0]  }
0x2: {  	s1 =	rddreg [dreg:$0x1]  }
0x3: {  	s3 =	srdreg.scid;
	s8 =	stileid.u32;
	s2 =	simm.s32 $0x0  }
0x4: {  	s29 =	simm.s32 $0xE400;
	s31 =	simm.s32 $0x1;
	s28 =	simm.s32 $0x14400  }
0x5: {  	s4 =	sand.u32 $0x1, s3;
	s23 =	sshll.u32 s8, $0x1;
	s8 =	smul.u32 $0x190000, s8  }
0x6: {  	s5 =	sor.u32 s4, s23;
	s7 =	ssub.s32 $0x2, s4;
	s4 =	smul.u32 $0xC8000, s4  }
0x7: {  	[smem:$0x7FF] =	sst s2;
	s3 =	sadd.s32 $0xF42E00, s0;
	s6 =	smul.u32 $0x6400, s5  }
0x8: {  	s30 =	simm.s32 $0x4;
	_ =	strace $0x80000047;
	s5 =	smul.u32 $0xC8000, s5  }
0x9: {  	s24 =	sshrl.u32 s7, $0x1;
	s4 =	sadd.s32 s4, s8;
	s6 =	sshrl.u32 s6, $0x3  }
0xa: {  	s5 =	sshrl.u32 s5, $0x3;
	s9 =	sadd.s32 $0x12000, s4;
	s11 =	sadd.s32 $0x10000, s4  }
0xb: {  	s13 =	sadd.s32 $0xE000, s4;
	s15 =	sadd.s32 $0xC000, s4;
	s17 =	sadd.s32 $0xA000, s4  }
0xc: {  	s19 =	sadd.s32 $0x8000, s4;
	s21 =	sor.u32 $0x6000, s4;
	s23 =	sor.u32 $0x4000, s4  }
0xd: {  	s0 =	sadd.s32 s6, s0;
	s6 =	ssub.s32 s7, s24;
	s26 =	sadd.s32 s1, s5  }
0xe: {  	s10 =	sshrl.u32 s9, $0x3;
	s12 =	sshrl.u32 s11, $0x3;
	s14 =	sshrl.u32 s13, $0x3  }
0xf: {  	s16 =	sshrl.u32 s15, $0x3;
	s18 =	sshrl.u32 s17, $0x3;
	s20 =	sshrl.u32 s19, $0x3  }
0x10: {  	s22 =	sshrl.u32 s21, $0x3;
	s24 =	sshrl.u32 s23, $0x3;
	s5 =	simm.s32 $0x5  }
0x11: {  	s19 =	simm.s32 $0x6;
	s21 =	simm.s32 $0x8;
	s25 =	sadd.s32 $0xA00, s0  }
0x12: {  	s0 =	sadd.s32 $0xAA0, s0;
	s7 =	smax.u32 s6, $0x1;
	s8 =	sadd.s32 $0x18000, s26  }
0x13: {  	s11 =	sadd.s32 s14, s1;
	s13 =	sadd.s32 s18, s1;
	[dreg:$0x3] =	wrdreg s25  }
0x14: {  	s14 =	sadd.s32 s20, s1;
	s15 =	sadd.s32 s22, s1;
	[dreg:$0x4] =	wrdreg s0  }
0x15: {  	s20 =	simm.s32 $0x100;
	s6 =	simm.s32 $0x18400;
	[dreg:$0x5] =	wrdreg s7  }
0x16: {  	s22 =	simm.s32 $0xA;
	[dreg:$0x6] =	wrdreg s8;
	s0 =	sadd.s32 $0x18800, s26  }
0x17: {  	s25 =	sor.u32 $0x2000, s4;
	s4 =	sshrl.u32 s4, $0x3;
	s8 =	simm.s32 $0x0  }
.Ltmp0:
0x18: {  	[dreg:$0x7] =	wrdreg s0;
	s0 =	sadd.s32 s10, s1;
	(pc) =	sbr.rel .LBB2_1-.Ltmp0, $4  }
0x19: {  	s26 =	sshrl.u32 s25, $0x3;
	s18 =	sadd.s32 s4, s1;
	s25 =	simm.s32 $0x3  }
0x1a: {  	[dreg:$0x8] =	wrdreg s0;
	s0 =	sadd.s32 s12, s1;
	s12 =	sadd.s32 s16, s1  }
0x1b: {  	s16 =	sadd.s32 s24, s1;
	s17 =	sadd.s32 s26, s1;
	s1 =	simm.s32 $0x2  }
0x1c: {  	s24 =	simm.s32 $0xF;
	[dreg:$0x9] =	wrdreg s0;
	s0 =	simm.s32 $0x10400  }
.LBB2_4:
0x1d: {  	s4 =	simm.s32 $0x10  }
0x1e: {  	_ =	swait.ge [sflag:s4], $0x2000  }
0x1f: {  	[sflag:s4] =	ssyncset.done $0x0  }
0x20: {  	s9 =	simm.s32 $0x11;
	[sflag:s4] =	ssyncadd.s32 $0xFFFFE000  }
0x21: {  	_ =	swait.ge [sflag:s9], $0x2000  }
0x22: {  	[sflag:s9] =	ssyncset.done $0x0  }
0x23: {  	s10 =	simm.s32 $0x12;
	[sflag:s9] =	ssyncadd.s32 $0xFFFFE000  }
0x24: {  	_ =	swait.ge [sflag:s10], $0x2000  }
0x25: {  	[sflag:s10] =	ssyncset.done $0x0  }
0x26: {  	s23 =	simm.s32 $0x13;
	[sflag:s10] =	ssyncadd.s32 $0xFFFFE000  }
0x27: {  	_ =	swait.ge [sflag:s23], $0x2000  }
0x28: {  	[sflag:s23] =	ssyncset.done $0x0  }
0x29: {  	s7 =	simm.s32 $0x14;
	[sflag:s23] =	ssyncadd.s32 $0xFFFFE000  }
0x2a: {  	_ =	swait.ge [sflag:s7], $0x2000  }
0x2b: {  	s8 =	rddreg [dreg:$0xa]  }
0x2c: {  	s26 =	rddreg [dreg:$0x5];
	s8 =	sadd.s32 $0x1, s8  }
0x2d: {  	p0 =	sne.s32 s8, s26  }
.Ltmp1:
0x2e: {  	_ = 	snop;
	(pc) =	sbr.rel @!p0 .LBB2_5-.Ltmp1, $3  }
0x2f: {  	_ =	sdelay $0x1  }
0x30: {  	[sflag:s7] =	ssyncset.done $0x0  }
0x31: {  	[sflag:s7] =	ssyncadd.s32 $0xFFFFE000  }
.LBB2_1:
0x32: {  	[dreg:$0xa] =	wrdreg s8  }
0x33: {  	s4 =	rddreg [dreg:$0x3];
	s7 =	simm.s32 $0x15  }
0x34: {  	[tilespmem:s2], [sflag:$0x15] =	stream.linear.gather [hbm4b:s4+s2], $0x500, $0x38;
	[tilespmem:$0x1A400] =	vst v63  }
0x35: {  	_ =	swait.ge [sflag:s7], $0x500  }
0x36: {  	[sflag:s7] =	ssyncset.done $0x0  }
0x37: {  	s9 =	simm.s32 $0x6400;
	[sflag:s7] =	ssyncadd.s32 $0xFFFFFB00  }
0x38: {  	[tilespmem:s9], [sflag:$0x1] =	stream.indirect.gather [hbm4b:s3+s20], $0x20, s2, s20, $0xb8;
	[tilespmem:$0x1A400] =	vst v63  }
0x39: {  	s10 =	simm.s32 $0x8400  }
0x3a: {  	[tilespmem:s10], [sflag:$0x2] =	stream.indirect.gather [hbm4b:s3+s20], $0x20, s20, s20, $0xb8;
	[tilespmem:$0x1A400] =	vst v63  }
0x3b: {  	s23 =	simm.s32 $0x200;
	s26 =	simm.s32 $0xA400  }
0x3c: {  	[tilespmem:s26], [sflag:$0x3] =	stream.indirect.gather [hbm4b:s3+s20], $0x20, s23, s20, $0xb8;
	[tilespmem:$0x1A400] =	vst v63  }
0x3d: {  	s8 =	simm.s32 $0x300;
	s9 =	simm.s32 $0xC400  }
0x3e: {  	[tilespmem:s9], [sflag:$0x4] =	stream.indirect.gather [hbm4b:s3+s20], $0x20, s8, s20, $0xb8;
	[tilespmem:$0x1A400] =	vst v63  }
0x3f: {  	s10 =	simm.s32 $0x400  }
0x40: {  	[tilespmem:s29], [sflag:$0x5] =	stream.indirect.gather [hbm4b:s3+s20], $0x20, s10, s20, $0xb8;
	[tilespmem:$0x1A400] =	vst v63  }
0x41: {  	s23 =	rddreg [dreg:$0x4];
	s26 =	simm.s32 $0x500  }
0x42: {  	[tilespmem:s26], [sflag:$0x15] =	stream.linear.gather [hbm4b:s23+s2], $0x5F00, $0x38;
	[tilespmem:$0x1A400] =	vst v63  }
0x43: {  	_ =	swait.ge [sflag:s7], $0x5F00  }
0x44: {  	[sflag:s7] =	ssyncset.done $0x0  }
0x45: {  	s26 =	simm.s32 $0x0;
	[sflag:s7] =	ssyncadd.s32 $0xFFFFA100  }
.LBB2_2:
0x46: {  	_ =	swait.ge [sflag:s31], $0x2000  }
0x47: {  	s23 =	sadd.s32 s26, s18;
	[sflag:s31] =	ssyncset.done $0x0  }
0x48: {  	s4 =	simm.s32 $0x6400;
	p0 =	seq.s32 s26, $0x0;
	[sflag:s31] =	ssyncadd.s32 $0xFFFFE000  }
0x49: {  	[hbm4b:s23+s2] =	stream.linear.scatter [tilespmem:s4], [sflag:$0xB], $0x2000, $0x38;
	[tilespmem:$0x1A400] =	vst v63  }
0x4a: {  	s23 =	simm.s32 @!p0 $0x10  }
0x4b: {  	s4 =	sshra.s32 @!p0 s26, $0x2;
	_ =	swait.ge @!p0 [sflag:s23], $0x2000  }
0x4c: {  	s7 =	sadd.s32 @!p0 $0x500, s4;
	[sflag:s23] =	ssyncset.done @!p0 $0x0  }
0x4d: {  	s7 =	simm.s32 @p0 $0x500;
	[sflag:s23] =	ssyncadd.s32 @!p0 $0xFFFFE000  }
0x4e: {  	[tilespmem:s0], [sflag:$0x6] =	stream.indirect.gather [hbm4b:s3+s20], $0x20, s7, s20, $0xb8;
	[tilespmem:$0x1A400] =	vst v63  }
0x4f: {  	_ =	swait.ge [sflag:s1], $0x2000  }
0x50: {  	s9 =	sadd.s32 s26, s17;
	[sflag:s1] =	ssyncset.done $0x0  }
0x51: {  	s8 =	simm.s32 $0x8400;
	s7 =	simm.s32 @!p0 $0x11;
	[sflag:s1] =	ssyncadd.s32 $0xFFFFE000  }
0x52: {  	[hbm4b:s9+s2] =	stream.linear.scatter [tilespmem:s8], [sflag:$0xC], $0x2000, $0x38;
	[tilespmem:$0x1A400] =	vst v63  }
0x53: {  	_ =	swait.ge @!p0 [sflag:s7], $0x2000  }
0x54: {  	s4 =	simm.s32 @p0 $0x0;
	[sflag:s7] =	ssyncset.done @!p0 $0x0  }
0x55: {  	s10 =	sadd.s32 $0x600, s4;
	s23 =	simm.s32 $0x12400;
	[sflag:s7] =	ssyncadd.s32 @!p0 $0xFFFFE000  }
0x56: {  	[tilespmem:s23], [sflag:$0x7] =	stream.indirect.gather [hbm4b:s3+s20], $0x20, s10, s20, $0xb8;
	[tilespmem:$0x1A400] =	vst v63  }
0x57: {  	_ =	swait.ge [sflag:s25], $0x2000  }
0x58: {  	s9 =	sadd.s32 s26, s16;
	[sflag:s25] =	ssyncset.done $0x0  }
0x59: {  	s7 =	simm.s32 @!p0 $0x12;
	s10 =	simm.s32 $0xA400;
	[sflag:s25] =	ssyncadd.s32 $0xFFFFE000  }
0x5a: {  	[hbm4b:s9+s2] =	stream.linear.scatter [tilespmem:s10], [sflag:$0xD], $0x2000, $0x38;
	[tilespmem:$0x1A400] =	vst v63  }
0x5b: {  	_ =	swait.ge @!p0 [sflag:s7], $0x2000  }
0x5c: {  	[sflag:s7] =	ssyncset.done @!p0 $0x0  }
0x5d: {  	s23 =	sadd.s32 $0x700, s4;
	[sflag:s7] =	ssyncadd.s32 @!p0 $0xFFFFE000  }
0x5e: {  	[tilespmem:s28], [sflag:$0x8] =	stream.indirect.gather [hbm4b:s3+s20], $0x20, s23, s20, $0xb8;
	[tilespmem:$0x1A400] =	vst v63  }
0x5f: {  	_ =	swait.ge [sflag:s30], $0x2000  }
0x60: {  	s8 =	sadd.s32 s26, s15;
	[sflag:s30] =	ssyncset.done $0x0  }
0x61: {  	s9 =	simm.s32 $0xC400;
	s7 =	simm.s32 @!p0 $0x13;
	[sflag:s30] =	ssyncadd.s32 $0xFFFFE000  }
0x62: {  	[hbm4b:s8+s2] =	stream.linear.scatter [tilespmem:s9], [sflag:$0xE], $0x2000, $0x38;
	[tilespmem:$0x1A400] =	vst v63  }
0x63: {  	_ =	swait.ge @!p0 [sflag:s7], $0x2000  }
0x64: {  	[sflag:s7] =	ssyncset.done @!p0 $0x0  }
0x65: {  	s10 =	sadd.s32 $0x800, s4;
	s23 =	simm.s32 $0x16400;
	[sflag:s7] =	ssyncadd.s32 @!p0 $0xFFFFE000  }
0x66: {  	[tilespmem:s23], [sflag:$0x9] =	stream.indirect.gather [hbm4b:s3+s20], $0x20, s10, s20, $0xb8;
	[tilespmem:$0x1A400] =	vst v63  }
0x67: {  	_ =	swait.ge [sflag:s5], $0x2000  }
0x68: {  	[sflag:s5] =	ssyncset.done $0x0  }
0x69: {  	s8 =	sadd.s32 s26, s14;
	s7 =	simm.s32 @!p0 $0x14;
	[sflag:s5] =	ssyncadd.s32 $0xFFFFE000  }
0x6a: {  	[hbm4b:s8+s2] =	stream.linear.scatter [tilespmem:s29], [sflag:$0xF], $0x2000, $0x38;
	[tilespmem:$0x1A400] =	vst v63  }
0x6b: {  	_ =	swait.ge @!p0 [sflag:s7], $0x2000  }
0x6c: {  	[sflag:s7] =	ssyncset.done @!p0 $0x0  }
0x6d: {  	s4 =	sadd.s32 $0x900, s4;
	[sflag:s7] =	ssyncadd.s32 @!p0 $0xFFFFE000  }
0x6e: {  	[tilespmem:s6], [sflag:$0xA] =	stream.indirect.gather [hbm4b:s3+s20], $0x20, s4, s20, $0xb8;
	[tilespmem:$0x1A400] =	vst v63  }
0x6f: {  	_ =	swait.ge [sflag:s19], $0x2000  }
0x70: {  	p0 =	seq.s32 s26, $0x16800;
	[sflag:s19] =	ssyncset.done $0x0  }
0x71: {  	s9 =	sadd.s32 s26, s13;
	s4 =	simm.s32 @p0 $0x7;
	[sflag:s19] =	ssyncadd.s32 $0xFFFFE000  }
0x72: {  	[hbm4b:s9+s2] =	stream.linear.scatter [tilespmem:s0], [sflag:$0x10], $0x2000, $0x38;
	[tilespmem:$0x1A400] =	vst v63  }
0x73: {  	_ =	swait.ge @p0 [sflag:s4], $0x2000  }
0x74: {  	s7 =	simm.s32 @p0 $0x12400;
	[sflag:s4] =	ssyncset.done @p0 $0x0  }
0x75: {  	s8 =	rddreg [dreg:$0x6];
	[sflag:s4] =	ssyncadd.s32 @p0 $0xFFFFE000;
	s4 =	simm.s32 @p0 $0x0  }
0x76: {  	[hbm4b:s8+s4] =	stream.linear.scatter @p0 [tilespmem:s7], [sflag:$0x11], $0x2000, $0x38;
	[tilespmem:$0x1A400] =	vst v63  }
0x77: {  	s7 =	simm.s32 @!p0 $0xB  }
0x78: {  	_ =	swait.ge @!p0 [sflag:s7], $0x2000  }
0x79: {  	[sflag:s7] =	ssyncset.done @!p0 $0x0  }
0x7a: {  	[sflag:s7] =	ssyncadd.s32 @!p0 $0xFFFFE000;
	s7 =	sshra.s32 @!p0 s26, $0x2  }
0x7b: {  	s9 =	simm.s32 @!p0 $0x6400;
	s8 =	simm.s32 @!p0 $0x100;
	s23 =	sadd.s32 @!p0 $0xA00, s7  }
0x7c: {  	[tilespmem:s9], [sflag:$0x1] =	stream.indirect.gather @!p0 [hbm4b:s3+s8], $0x20, s23, s8, $0xb8;
	[tilespmem:$0x1A400] =	vst v63  }
0x7d: {  	s9 =	simm.s32 @!p0 $0x7  }
0x7e: {  	_ =	swait.ge @!p0 [sflag:s9], $0x2000  }
0x7f: {  	s10 =	simm.s32 @!p0 $0x12400;
	[sflag:s9] =	ssyncset.done @!p0 $0x0  }
0x80: {  	s23 =	simm.s32 @!p0 $0x0;
	[sflag:s9] =	ssyncadd.s32 @!p0 $0xFFFFE000;
	s9 =	sadd.s32 @!p0 s26, s12  }
0x81: {  	[hbm4b:s9+s23] =	stream.linear.scatter @!p0 [tilespmem:s10], [sflag:$0x11], $0x2000, $0x38;
	[tilespmem:$0x1A400] =	vst v63  }
0x82: {  	s9 =	simm.s32 @!p0 $0xC  }
0x83: {  	_ =	swait.ge @!p0 [sflag:s9], $0x2000  }
0x84: {  	[sflag:s9] =	ssyncset.done @!p0 $0x0  }
0x85: {  	s10 =	simm.s32 @!p0 $0x8400;
	[sflag:s9] =	ssyncadd.s32 @!p0 $0xFFFFE000;
	s9 =	sadd.s32 @!p0 $0xB00, s7  }
0x86: {  	[tilespmem:s10], [sflag:$0x2] =	stream.indirect.gather @!p0 [hbm4b:s3+s8], $0x20, s9, s8, $0xb8;
	[tilespmem:$0x1A400] =	vst v63  }
0x87: {  	_ =	swait.ge [sflag:s21], $0x2000  }
0x88: {  	[sflag:s21] =	ssyncset.done $0x0  }
0x89: {  	s10 =	sadd.s32 s26, s11;
	s9 =	simm.s32 @p0 $0x9;
	[sflag:s21] =	ssyncadd.s32 $0xFFFFE000  }
0x8a: {  	[hbm4b:s10+s2] =	stream.linear.scatter [tilespmem:s28], [sflag:$0x12], $0x2000, $0x38;
	[tilespmem:$0x1A400] =	vst v63  }
0x8b: {  	_ =	swait.ge @p0 [sflag:s9], $0x2000  }
0x8c: {  	[sflag:s9] =	ssyncset.done @p0 $0x0  }
0x8d: {  	s10 =	rddreg [dreg:$0x7];
	[sflag:s9] =	ssyncadd.s32 @p0 $0xFFFFE000;
	s9 =	simm.s32 @p0 $0x16400  }
0x8e: {  	[hbm4b:s10+s4] =	stream.linear.scatter @p0 [tilespmem:s9], [sflag:$0x13], $0x2000, $0x38;
	[tilespmem:$0x1A400] =	vst v63  }
0x8f: {  	s4 =	simm.s32 @!p0 $0xD  }
0x90: {  	_ =	swait.ge @!p0 [sflag:s4], $0x2000  }
0x91: {  	[sflag:s4] =	ssyncset.done @!p0 $0x0  }
0x92: {  	s9 =	simm.s32 @!p0 $0xA400;
	[sflag:s4] =	ssyncadd.s32 @!p0 $0xFFFFE000;
	s4 =	sadd.s32 @!p0 $0xC00, s7  }
0x93: {  	[tilespmem:s9], [sflag:$0x3] =	stream.indirect.gather @!p0 [hbm4b:s3+s8], $0x20, s4, s8, $0xb8;
	[tilespmem:$0x1A400] =	vst v63  }
0x94: {  	s4 =	simm.s32 @!p0 $0x9  }
0x95: {  	_ =	swait.ge @!p0 [sflag:s4], $0x2000  }
0x96: {  	[sflag:s4] =	ssyncset.done @!p0 $0x0  }
0x97: {  	[sflag:s4] =	ssyncadd.s32 @!p0 $0xFFFFE000;
	s4 =	rddreg [dreg:$0x9]  }
0x98: {  	s9 =	simm.s32 @!p0 $0x16400;
	s4 =	sadd.s32 @!p0 s26, s4  }
0x99: {  	[hbm4b:s4+s23] =	stream.linear.scatter @!p0 [tilespmem:s9], [sflag:$0x13], $0x2000, $0x38;
	[tilespmem:$0x1A400] =	vst v63  }
0x9a: {  	s4 =	simm.s32 @!p0 $0xE  }
0x9b: {  	_ =	swait.ge @!p0 [sflag:s4], $0x2000  }
0x9c: {  	[sflag:s4] =	ssyncset.done @!p0 $0x0  }
0x9d: {  	[sflag:s4] =	ssyncadd.s32 @!p0 $0xFFFFE000;
	s4 =	sadd.s32 @!p0 $0xD00, s7;
	s7 =	simm.s32 @!p0 $0xC400  }
0x9e: {  	[tilespmem:s7], [sflag:$0x4] =	stream.indirect.gather @!p0 [hbm4b:s3+s8], $0x20, s4, s8, $0xb8;
	[tilespmem:$0x1A400] =	vst v63  }
.Ltmp2:
0x9f: {  	_ = 	snop;
	(pc) =	sbr.rel @p0 .LBB2_4-.Ltmp2, $4  }
0xa0: {  	_ =	swait.ge [sflag:s22], $0x2000  }
0xa1: {  	[sflag:s22] =	ssyncset.done $0x0;
	s23 =	rddreg [dreg:$0x8]  }
0xa2: {  	[sflag:s22] =	ssyncadd.s32 $0xFFFFE000;
	s4 =	sadd.s32 s26, s23  }
0xa3: {  	[hbm4b:s4+s2] =	stream.linear.scatter [tilespmem:s6], [sflag:$0x14], $0x2000, $0x38;
	[tilespmem:$0x1A400] =	vst v63  }
.Ltmp3:
0xa4: {  	(pc) =	sbr.rel .LBB2_2-.Ltmp3, $4  }
0xa5: {  	_ =	swait.ge [sflag:s24], $0x2000  }
0xa6: {  	s4 =	sshra.s32 s26, $0x2;
	[sflag:s24] =	ssyncset.done $0x0  }
0xa7: {  	s26 =	sadd.s32 $0x2800, s26;
	s4 =	sadd.s32 $0xE00, s4;
	[sflag:s24] =	ssyncadd.s32 $0xFFFFE000  }
0xa8: {  	[tilespmem:s29], [sflag:$0x5] =	stream.indirect.gather [hbm4b:s3+s20], $0x20, s4, s20, $0xb8;
	[tilespmem:$0x1A400] =	vst v63  }
.LBB2_5:
0xa9: {  	_ =	sfence.sel $0x180000  }
0xaa: {  	[bflag:$0x0] =	sbarrier.arrive $0xFFFF  }
0xab: {  	_ =	strace $0x90000047  }
0xac: {  	s0 =	stileid.u32;
	[bflag:$0x2] =	sbarrier.arrive $0xFFFF  }
0xad: {  	p0 =	sne.s32 s0, $0x0;
	s0 =	rddreg [dreg:$0x2]  }
0xae: {  	s0 =	sadd.s32 @!p0 $0x100000, s0  }
0xaf: {  	[sflag:s0] =	ssyncadd.tile.s32 @!p0 $0x1;
	_ =	shalt  }
.Lfunc_end2:
_tile_overlayer_lowered:
.L_overlay_start_2:
0xb0: {  	(tag) =	ssettag $0x2  }
0xb1: {  	s0 =	rddreg [dreg:$0x0];
	s2 =	stileid.u32  }
0xb2: {  	s1 =	rddreg [dreg:$0x1];
	p0 =	sne.s32 s2, $0x0  }
0xb3: {  	s3 =	rddreg [dreg:$0x2];
	[bflag:$0x3] =	sbarrier.arrive $0xFFFF;
	s2 =	simm.s32 @!p0 $0x1C15  }
0xb4: {  	[timem:s3], [sflag:s2] =	dma.local @!p0 [hbm:s0], s1  }
0xb5: {  	s0 =	simm.s32 @!p0 $0x15  }
0xb6: {  	_ =	swait.ge @!p0 [sflag:s0], s1  }
0xb7: {  	s1 =	ssub.s32 @!p0 $0x0, s1;
	[sflag:s0] =	ssyncset.done @!p0 $0x0  }
0xb8: {  	[sflag:s0] =	ssyncadd.s32 @!p0 s1  }
0xb9: {  	[bflag:$0x3] =	sbarrier.arrive $0xFFFF  }
0xba: {  	_ =	shalt  }

// kernel: sparse-core-data-format-call.cloned.1.call-start
scs
called_computation_lowered:
.L_overlay_start_0:
0x0: {  	s2 =	sld [smem:$0x3FD9]  }
0x1: {  	s3 =	sld [smem:$0x3FFE];
	_ =	sdelay $0x1  }
0x2: {  	s1 =	srdreg.scid  }
0x3: {  	s0 =	sand.u32 $0x1, s1  }
0x4: {  	s18 =	sshll.u32 s0, $0xA;
	s2 =	sadd.s32 s3, s2  }
0x5: {  	s2 =	sadd.s32 s2, s18  }
0x6: {  	[smem:$0x3FC6] =	sst s2  }
0x7: {  	_ = 	snop  }
0x8: {  	s2 =	sld [smem:$0x3FD0];
	(tm) =	ssettm $0x1  }
0x9: {  	s19 =	sld [smem:$0x3FFB];
	_ =	sdelay $0x3  }
0xa: {  	_ =	strace s19  }
0xb: {  	s3 =	sld [smem:$0x3FFC];
	_ =	sdelay $0x3  }
0xc: {  	_ =	strace s3  }
0xd: {  	s3 =	sld [smem:$0x3FFD];
	_ =	sdelay $0x3  }
0xe: {  	_ =	strace s3  }
0xf: {  	_ =	strace $0x8FFFFFFF  }
0x10: {  	s20 =	sld [smem:$0x3FDB];
	_ =	sdelay $0x1  }
0x11: {  	s4 =	simm.s32 $_scs_section_size  }
0x12: {  	s5 =	simm.s32 $_size__tile_overlayer_lowered;
	s6 =	simm.s32 $_tile_overlayer_lowered  }
0x13: {  	s23 =	simm.s32 $0x1BFF;
	s22 =	sshll.u32 s6, $0x1;
	s3 =	sadd.s32 s4, s20  }
0x14: {  	s7 =	simm.s32 $0x0;
	s21 =	sshll.u32 s5, $0x1;
	s5 =	sadd.s32 s22, s3  }
0x15: {  	[timem:s7], [sflag:s23] =	dma.local [hbm:s5], s21  }
0x16: {  	_ =	swait.ge [sflag:s23], s21  }
0x17: {  	s4 =	ssub.s32 $0x0, s21;
	[sflag:s23] =	ssyncset.done $0x0  }
0x18: {  	[sflag:s23] =	ssyncadd.s32 s4;
	_ =	sdelay $0x1  }
0x19: {  	s24 =	simm.s32 $0x1B8B  }
0x1a: {  	_ =	swait.ge [sflag:s24], $0x1  }
0x1b: {  	[sflag:s24] =	ssyncset.done $0x0  }
0x1c: {  	s26 =	simm.s32 $0x1B8E;
	s25 =	sld [smem:$0x3FFE];
	[sflag:s24] =	ssyncadd.s32 $0xFFFFFFFF  }
0x1d: {  	s27 =	simm.s32 $execute0_lowered;
	[smem:$0x3FD2] =	sst s26  }
0x1e: {  	s5 =	sshll.u32 s27, $0x1;
	_ =	strace $0x80000049;
	[dreg:$0x1] =	wrdreg $0xFFFFFFFF  }
0x1f: {  	s28 =	simm.s32 $_size_execute0_lowered;
	s3 =	sadd.s32 s3, s5;
	[dreg:$0x0] =	wrdreg $0x0  }
0x20: {  	s5 =	sshll.u32 s28, $0x1;
	[dreg:$0x2] =	wrdreg s3  }
0x21: {  	[dreg:$0x3] =	wrdreg s5  }
0x22: {  	[dreg:$0x4] =	wrdreg $0xC0  }
0x23: {  	_ =	task [dreg:s7], $0x5FFFF  }
0x24: {  	[dreg:$0x1] =	wrdreg $0xFFFFFFFF  }
0x25: {  	[dreg:$0x0] =	wrdreg $0x60  }
0x26: {  	[dreg:$0x2] =	wrdreg s25  }
0x27: {  	[dreg:$0x3] =	wrdreg s2  }
0x28: {  	[dreg:$0x4] =	wrdreg $0x9  }
0x29: {  	_ =	task.clear_ibuf [dreg:s7], $0x5FFFF;
	_ =	strace $0x90000049  }
0x2a: {  	s29 =	simm.s32 $0x9;
	_ =	strace $0x8000004B  }
0x2b: {  	_ =	swait.ge [sflag:s29], $0x1  }
0x2c: {  	[sflag:s29] =	ssyncadd.s32 $0xFFFFFFFF  }
0x2d: {  	_ =	strace $0x9000004B  }
0x2e: {  	_ =	sfence  }
0x2f: {  	s30 =	sld [smem:$0x0];
	_ =	sdelay $0x2  }
0x30: {  	s31 =	sshll.u32 s1, $0xD;
	s1 =	sshrl.u32 s1, $0x2  }
0x31: {  	s3 =	sand.u32 $0x4000, s31;
	s1 =	sadd.s32 s1, s30  }
0x32: {  	s0 =	sor.u32 s3, s0;
	s1 =	sshll.u32 s1, $0x11  }
0x33: {  	s0 =	sor.u32 s1, s0  }
0x34: {  	s0 =	sadd.s32 $0x8F2B, s0  }
0x35: {  	[sflag:s0] =	ssyncadd.remote.s32 $0x1  }
0x36: {  	_ =	sfence.sel $0xFFFF  }
0x37: {  	[dreg:$0x0] =	wrdreg $0xFFFFFFFF;
	(pc) =	sbr.abs _section_cstart, $3  }
0x38: {  	[dreg:$0x1] =	wrdreg $0xFFFFFFFF  }
0x39: {  	_ =	task.clear_ibuf [dreg:s7], $0x2FFFF;
	_ =	strace $0x9FFFFFFF  }
0x3a: {  	(tm) =	ssettm $0x7FFFFFFF  }
0x3b: {  	_ =	shalt  }
tec
execute0_lowered:
.L_overlay_start_1:
0x0: {  	(tag) =	ssettag $0x1  }
0x1: {  	s0 =	srdreg.scid  }
0x2: {  	s1 =	sshll.u32 s0, $0x4  }
0x3: {  	s0 =	stileid.u32;
	s1 =	sand.u32 $0x10, s1  }
0x4: {  	s1 =	sor.u32 s0, s1  }
0x5: {  	s6 =	rddreg [dreg:$0x0];
	s4 =	simm.s32 $0x1;
	s2 =	sshll.u32 s1, $0x7  }
0x6: {  	s7 =	simm.s32 $0x2;
	s12 =	simm.s32 $0x0;
	s1 =	ssub.s32 $0x1000, s2  }
0x7: {  	s8 =	simm.s32 $0x8000;
	s13 =	simm.s32 $0x0;
	s3 =	sand.u32 $0xF80, s1  }
0x8: {  	s9 =	simm.s32 $0x0;
	s5 =	sshrl.u32 s1, $0xC;
	p0 =	sne.s32 s3, $0x0  }
.Ltmp0:
0x9: {  	s1 =	rddreg [dreg:$0x2];
	s4 =	simm.s32 @!p0 $0x0;
	(pc) =	sbr.rel .LBB1_1-.Ltmp0, $4  }
0xa: {  	s11 =	simm.s32 $0x0;
	s3 =	rddreg [dreg:$0x1];
	s5 =	sadd.s32 s4, s5  }
0xb: {  	_ =	strace $0x8000004A;
	s4 =	simm.s32 $0x1;
	s5 =	smul.u32 $0xC8, s5  }
0xc: {  	s6 =	sadd.s32 $0xA00, s6;
	s10 =	smov.u32 s2;
	[sflag:s4] =	ssyncpa.u1 $0x0  }
0xd: {  	p0 =	por $0x0, $0x0;
	[sflag:s7] =	ssyncpa.u1 $0x0;
	s7 =	sor.u32 $0x1, s5  }
.LBB1_4:
0xe: {  	s16 =	sshll.u32 s13, $0x3;
	s17 =	sand.u32 $0x78, s13  }
0xf: {  	s30 =	sand.u32 $0x3E00, s13;
	s12 =	sshll.u32 s12, $0xE;
	s16 =	sand.u32 $0xC00, s16  }
0x10: {  	s31 =	sand.u32 $0x7, s13;
	s16 =	sor.u32 s17, s16;
	s17 =	sadd.s32 s3, s30  }
0x11: {  	s13 =	sshll.u32 s31, $0x12;
	s16 =	sshrl.u32 s16, $0x3;
	s12 =	sadd.s32 s12, s17  }
0x12: {  	[tilespmem:s15+$0x0 ss:$0x81] =	vst.msk $0xffff, v0;
	s13 =	sor.u32 $0x400, s13;
	s12 =	sadd.s32 s16, s12  }
0x13: {  	[hbm4b:s12+s13] =	stream.strided.scatter [tilespmem:s14], [sflag:$0x2], $0x1000, s8, s13, $0x20;
	[tilespmem:$0x4040] =	vst v63  }
.LBB1_5:
0x14: {  	s14 =	sadd.s32 $0x1, s9  }
0x15: {  	s12 =	sadd.s32 $0x1000, s10;
	s16 =	smov.u32 s10;
	p2 =	sgt.s32 s14, $0xC7  }
0x16: {  	s16 =	smov.u32 @p2 s12  }
0x17: {  	s14 =	simm.s32 @p2 $0x0;
	p2 =	sgt.s32 s16, $0xFFF  }
0x18: {  	s16 =	smov.u32 @p2 s2;
	p2 =	sne.s32 s11, s7  }
.Ltmp1:
0x19: {  	p1 =	slt.u32 s11, $0x2;
	(pc) =	sbr.rel @!p2 .LBB1_6-.Ltmp1, $4  }
0x1a: {  	s15 =	simm.s32 @!p1 $0x2  }
0x1b: {  	s13 =	smov.u32 s10;
	p0 =	por !p0, !p0;
	_ =	swait.ge @!p1 [sflag:s15], $0x1000  }
0x1c: {  	s12 =	smov.u32 s9;
	[sflag:s15] =	ssyncset.done @!p1 $0x0;
	s9 =	smov.u32 s14  }
0x1d: {  	s11 =	sadd.s32 $0x1, s11;
	[sflag:s15] =	ssyncadd.s32 @!p1 $0xFFFFF000;
	s10 =	smov.u32 s16  }
.LBB1_1:
0x1e: {  	p1 =	sge.u32 s11, s5  }
0x1f: {  	s14 =	sand.u32 @!p1 $0x1FFFFFF, s9  }
0x20: {  	s15 =	smulhi.u32 @!p1 $0x147AE15, s14;
	_ =	sdelay $0x1  }
0x21: {  	s15 =	smul.u32 @!p1 $0xC8, s15  }
0x22: {  	s16 =	sxor.u32 @!p1 $0xFFFFFFFF, s11;
	s17 =	smul.u32 @!p1 $0xC80, s10  }
0x23: {  	s31 =	sadd.s32 $0xFFFFFFFF, s11;
	s16 =	sshll.u32 @!p1 s16, $0xC;
	s14 =	ssub.s32 @!p1 s14, s15  }
0x24: {  	s15 =	sand.u32 @!p1 $0x1000, s16;
	s16 =	sadd.s32 @!p1 s6, s17;
	s14 =	sshll.u32 @!p1 s14, $0x4  }
0x25: {  	s17 =	simm.s32 @!p1 $0x6400;
	s14 =	sadd.s32 @!p1 s14, s16;
	s16 =	simm.s32 @!p1 $0x20  }
0x26: {  	[tilespmem:s15], [sflag:$0x1] =	stream.strided.gather @!p1 [hbm4b:s14+s16], $0x1000, s17, s16, $0x38;
	[tilespmem:$0x4040] =	vst v63  }
0x27: {  	p1 =	sge.u32 s31, s5  }
.Ltmp2:
0x28: {  	_ = 	snop;
	(pc) =	sbr.rel @p1 .LBB1_5-.Ltmp2, $1  }
0x29: {  	_ =	sdelay $0x3  }
0x2a: {  	s14 =	simm.s32 $0x1  }
0x2b: {  	_ =	swait.ge [sflag:s4], $0x1000;
	s14 =	simm.s32 @!p0 $0x0  }
0x2c: {  	[sflag:s4] =	ssyncset.done $0x0;
	s15 =	sshll.u32 s14, $0xC  }
0x2d: {  	[sflag:s4] =	ssyncadd.s32 $0xFFFFF000;
	s18 =	sor.u32 $0x10, s15  }
0x2e: {  	s14 =	smul.u32 $0x4080, s14;
	v1 =	vld [tilespmem:s18+$0x0]  }
0x2f: {  	s30 =	sand.u32 $0x1, s11;
	v0 =	vld [tilespmem:s18+$0xFFFFFFF0]  }
0x30: {  	s15 =	smul.u32 $0x4080, s30;
	s14 =	sshrl.u32 s14, $0x2  }
0x31: {  	s16 =	sor.u32 $0x2000, s14  }
0x32: {  	s31 =	sshrl.u32 s15, $0x2;
	s15 =	sadd.s32 $0x0, s16  }
0x33: {  	s17 =	simm.s32 $0x4;
	s18 =	sadd.s32 $0x20, s18;
	s14 =	sor.u32 $0x2000, s31;
	[tilespmem:s15+$0x810 ss:$0x81] =	vst.msk $0xffff, v1  }
.LBB1_3:
0x34: {  	v1 =	vld [tilespmem:s18+$0x0];
	p1 =	sne.s32 s17, $0x1FC;
	[tilespmem:s15+$0x0 ss:$0x81] =	vst.msk $0xffff, v0;
	s15 =	smov.u32 s17;
	s17 =	sadd.s32 $0x4, s17  }
.Ltmp3:
0x35: {  	v0 =	vld [tilespmem:s18+$0xFFFFFFF0];
	(pc) =	sbr.rel @p1 .LBB1_3-.Ltmp3, $4  }
0x36: {  	_ = 	snop  }
0x37: {  	s15 =	sshra.s32 s15, $0x2  }
0x38: {  	s15 =	sadd.s32 s15, s16  }
0x39: {  	s18 =	sadd.s32 $0x20, s18;
	[tilespmem:s15+$0x810 ss:$0x81] =	vst.msk $0xffff, v1  }
.Ltmp4:
0x3a: {  	_ = 	snop;
	(pc) =	sbr.rel .LBB1_4-.Ltmp4, $1  }
0x3b: {  	_ =	sdelay $0x3  }
.LBB1_6:
0x3c: {  	_ =	sfence.sel $0x180000  }
0x3d: {  	s2 =	simm.s32 $0x1;
	[bflag:$0x0] =	sbarrier.arrive $0xFFFF  }
0x3e: {  	s31 =	simm.s32 $0x2;
	[sflag:s2] =	ssyncpa.u1 $0x1  }
0x3f: {  	[sflag:s31] =	ssyncpa.u1 $0x1  }
0x40: {  	p0 =	sne.s32 s0, $0x0;
	_ =	strace $0x9000004A  }
0x41: {  	s0 =	sadd.s32 @!p0 $0x100000, s1;
	[bflag:$0x2] =	sbarrier.arrive $0xFFFF  }
0x42: {  	[sflag:s0] =	ssyncadd.tile.s32 @!p0 $0x1;
	_ =	shalt  }
.Lfunc_end1:
_tile_overlayer_lowered:
.L_overlay_start_2:
0x43: {  	(tag) =	ssettag $0x2  }
0x44: {  	s0 =	rddreg [dreg:$0x0];
	s2 =	stileid.u32  }
0x45: {  	s1 =	rddreg [dreg:$0x1];
	p0 =	sne.s32 s2, $0x0  }
0x46: {  	s3 =	rddreg [dreg:$0x2];
	[bflag:$0x3] =	sbarrier.arrive $0xFFFF;
	s2 =	simm.s32 @!p0 $0x1C01  }
0x47: {  	[timem:s3], [sflag:s2] =	dma.local @!p0 [hbm:s0], s1  }
0x48: {  	s0 =	simm.s32 @!p0 $0x1  }
0x49: {  	_ =	swait.ge @!p0 [sflag:s0], s1  }
0x4a: {  	s1 =	ssub.s32 @!p0 $0x0, s1;
	[sflag:s0] =	ssyncset.done @!p0 $0x0  }
0x4b: {  	[sflag:s0] =	ssyncadd.s32 @!p0 s1  }
0x4c: {  	[bflag:$0x3] =	sbarrier.arrive $0xFFFF  }
0x4d: {  	_ =	shalt  }

</sc_bundles>
